<compile_context>
chip_gen: v7x
topology: tpu7x:2x2x1
jax: 0.10.2.dev20260603
libtpu: 0.0.44.dev20260713+nightly
codegen_flags: <defaults>
</compile_context>

<pallas_src>
import functools

import jax
import jax.numpy as jnp
from jax import lax
from jax.experimental import pallas as pl
from jax.experimental.pallas import tpu as pltpu
from jax.experimental.pallas import tpu_sc as plsc

_B = 16384
_HIST = 20
_D = 32
_TOTAL = _B * _HIST
_NC = 2
_NS = 16
_NW = _NC * _NS
_PER_W = _TOTAL // _NW
_CHUNK = 512
_NBUF = 4
_N_CHUNKS = _PER_W // _CHUNK
_SLACK = 2


def _sc_gather(idx_flat, table):
    mesh = plsc.VectorSubcoreMesh(core_axis_name="c", subcore_axis_name="s")

    @functools.partial(
        pl.kernel,
        mesh=mesh,
        out_type=jax.ShapeDtypeStruct((_TOTAL, _D), jnp.float32),
        scratch_types=[
            pltpu.VMEM((_PER_W,), jnp.int32),
            [pltpu.VMEM((_CHUNK, _D), jnp.float32) for _ in range(_NBUF)],
            [pltpu.SemaphoreType.DMA for _ in range(_NBUF)],
            [pltpu.SemaphoreType.DMA for _ in range(_NBUF)],
        ],
        compiler_params=pltpu.CompilerParams(use_tc_tiling_on_sc=False),
    )
    def k(idx_hbm, table_hbm, out_hbm, idx_v, rows, gsem, wsem):
        wid = lax.axis_index("s") * _NC + lax.axis_index("c")
        base = wid * _PER_W
        pltpu.sync_copy(idx_hbm.at[pl.ds(base, _PER_W)], idx_v)

        gcopies = [None] * _NBUF
        wcopies = [None] * _NBUF

        def start_gather(i):
            b = i % _NBUF
            if wcopies[b] is not None:
                wcopies[b].wait()
            gcopies[b] = pltpu.async_copy(
                table_hbm.at[idx_v.at[pl.ds(i * _CHUNK, _CHUNK)]],
                rows[b], gsem[b])

        def start_write(i):
            b = i % _NBUF
            gcopies[b].wait()
            wcopies[b] = pltpu.async_copy(
                rows[b], out_hbm.at[pl.ds(base + i * _CHUNK, _CHUNK)],
                wsem[b])

        for i in range(_N_CHUNKS + _SLACK):
            if i < _N_CHUNKS:
                start_gather(i)
            if i >= _SLACK:
                start_write(i - _SLACK)
        for i in range(_NBUF):
            b = (_N_CHUNKS - 1 - i) % _NBUF
            if wcopies[b] is not None:
                wcopies[b].wait()

    return k(idx_flat, table)


_KB = 64


def _retile_body(x_ref, o_ref):
    o_ref[...] = x_ref[...].reshape(8 * _KB, _HIST * _D)


def _retile(x_lin):
    return pl.pallas_call(
        _retile_body,
        grid=(_B // (8 * _KB),),
        in_specs=[pl.BlockSpec((40 * _KB, 128), lambda b: (b, 0))],
        out_specs=pl.BlockSpec((8 * _KB, _HIST * _D), lambda b: (b, 0)),
        out_shape=jax.ShapeDtypeStruct((_B, _HIST * _D), jnp.float32),
    )(x_lin)


def kernel(action, table):
    idx = action.reshape(-1).astype(jnp.int32)
    rows = _sc_gather(idx, table)
    return _retile(rows.reshape(_TOTAL * _D // 128, 128))

# --- scband reference (transcript-rebuilt; emitter-appended) ---
"""Pipeline reference for scband-action-embedding-representation-84808424227069 (READ-ONLY COPY).

The authoritative reference and input builder live on the scoring server;
editing this copy changes nothing except your own understanding.
"""

import jax, jax.numpy as jnp
import numpy as np

NUM_ACTIONS = 1000000
ACTION_DIM = 32
BATCH = 16384
HIST = 20

def setup_inputs(seed: int = 0) -> dict:
    key = jax.random.key(seed)
    k_idx, k_tab = jax.random.split(key)
    action = jax.random.randint(k_idx, (BATCH, HIST), 0, NUM_ACTIONS).astype(jnp.int64)
    # learned parameter: embedding table sized per init_kwargs
    table = jax.random.normal(k_tab, (NUM_ACTIONS, ACTION_DIM), dtype=jnp.float32)
    return {"action": action, "table": table}

def reference(action, table):
    # nn.Embedding lookup: gather rows of the table
    emb = jnp.take(table, action, axis=0)  # [B, HIST, ACTION_DIM]
    # nn.Flatten(start_dim=-2): merge the last two dims
    out = emb.reshape(emb.shape[:-2] + (emb.shape[-2] * emb.shape[-1],))  # [B, HIST*ACTION_DIM]
    return out

if __name__ == "__main__":
    import jax
    _d = setup_inputs()
    print(jax.jit(kernel)(*tuple(_d.values())))

</pallas_src>

<mosaic_0001>
#map = affine_map<(d0, d1) -> (0)>
#map1 = affine_map<(d0, d1) -> (0, 0)>
module attributes {stable_mosaic.version = 14 : i64} {
  func.func @k(%arg0: i32, %arg1: i32, %arg2: memref<327680xi32, #tpu.memory_space<hbm>>, %arg3: memref<1000000x32xf32, #tpu.memory_space<hbm>>, %arg4: memref<327680x32xf32, #tpu.memory_space<hbm>>, %arg5: memref<10240xi32, #tpu.memory_space<vmem>>, %arg6: memref<512x32xf32, #tpu.memory_space<vmem>>, %arg7: memref<512x32xf32, #tpu.memory_space<vmem>>, %arg8: memref<512x32xf32, #tpu.memory_space<vmem>>, %arg9: memref<512x32xf32, #tpu.memory_space<vmem>>, %arg10: memref<!tpu.dma_semaphore, #tpu.memory_space<semaphore_mem>>, %arg11: memref<!tpu.dma_semaphore, #tpu.memory_space<semaphore_mem>>, %arg12: memref<!tpu.dma_semaphore, #tpu.memory_space<semaphore_mem>>, %arg13: memref<!tpu.dma_semaphore, #tpu.memory_space<semaphore_mem>>, %arg14: memref<!tpu.dma_semaphore, #tpu.memory_space<semaphore_mem>>, %arg15: memref<!tpu.dma_semaphore, #tpu.memory_space<semaphore_mem>>, %arg16: memref<!tpu.dma_semaphore, #tpu.memory_space<semaphore_mem>>, %arg17: memref<!tpu.dma_semaphore, #tpu.memory_space<semaphore_mem>>) attributes {dimension_semantics = [#tpu.dimension_semantics<core_parallel>, #tpu.dimension_semantics<subcore_parallel>], iteration_bounds = array<i64: 2, 16>, scalar_prefetch = 0 : i64, scratch_operands = 13 : i64, tpu.core_type = #tpu.core_type<sc_vector_subcore>, window_params = [{transform_indices = #map}, {transform_indices = #map1}, {transform_indices = #map1}]} {
    %mul3A = arith.constant 2 : i32
    %mul3A_0 = arith.muli %arg1, %mul3A : i32
    %add3A = arith.addi %mul3A_0, %arg0 : i32
    %mul3A_1 = arith.constant 10240 : i32
    %mul3A_2 = arith.muli %add3A, %mul3A_1 : i32
    "tpu.region"() ({
      %run_scoped3A = tpu.sem_alloc : memref<!tpu.dma_semaphore, #tpu.memory_space<semaphore_mem>>
      %dma_start3A_401 = tpu.memref_slice %arg2[%mul3A_2] : memref<327680xi32, #tpu.memory_space<hbm>> -> memref<10240xi32, #tpu.memory_space<hbm>>
      %dma_start3A_402 = tpu.memref_slice %arg2[%mul3A_2] : memref<327680xi32, #tpu.memory_space<hbm>> -> memref<10240xi32, #tpu.memory_space<hbm>>
      tpu.enqueue_dma source(%dma_start3A_402 : memref<10240xi32, #tpu.memory_space<hbm>>) target(%arg5 : memref<10240xi32, #tpu.memory_space<vmem>>) target_semaphore(%run_scoped3A : memref<!tpu.dma_semaphore, #tpu.memory_space<semaphore_mem>>)
      %dma_wait3A_403 = tpu.memref_slice %arg2[%mul3A_2] : memref<327680xi32, #tpu.memory_space<hbm>> -> memref<10240xi32, #tpu.memory_space<hbm>>
      %dma_wait3A_404 = tpu.memref_slice %arg2[%mul3A_2] : memref<327680xi32, #tpu.memory_space<hbm>> -> memref<10240xi32, #tpu.memory_space<hbm>>
      tpu.wait_dma2 semaphore(%run_scoped3A : memref<!tpu.dma_semaphore, #tpu.memory_space<semaphore_mem>>) src(%dma_wait3A_404 : memref<10240xi32, #tpu.memory_space<hbm>>) dst(%arg5 : memref<10240xi32, #tpu.memory_space<vmem>>)
      tpu.yield
    }) : () -> ()
    %dma_start3A = arith.constant 0 : i32
    %dma_start3A_3 = tpu.memref_slice %arg5[%dma_start3A] : memref<10240xi32, #tpu.memory_space<vmem>> -> memref<512xi32, #tpu.memory_space<vmem>>
    %dma_start3A_4 = arith.constant 0 : i32
    %dma_start3A_5 = arith.constant 0 : i32
    %dma_start3A_6 = tpu.memref_slice %arg3[%dma_start3A_4, %dma_start3A_5] : memref<1000000x32xf32, #tpu.memory_space<hbm>> -> memref<1000000x32xf32, #tpu.memory_space<hbm>>
    tpu.enqueue_indirect_dma source(%dma_start3A_6 : memref<1000000x32xf32, #tpu.memory_space<hbm>>) target(%arg6 : memref<512x32xf32, #tpu.memory_space<vmem>>) offsets(%dma_start3A_3 : memref<512xi32, #tpu.memory_space<vmem>>) semaphore(%arg10 : memref<!tpu.dma_semaphore, #tpu.memory_space<semaphore_mem>>)
    %dma_start3A_7 = arith.constant 512 : i32
    %dma_start3A_8 = tpu.memref_slice %arg5[%dma_start3A_7] : memref<10240xi32, #tpu.memory_space<vmem>> -> memref<512xi32, #tpu.memory_space<vmem>>
    %dma_start3A_9 = arith.constant 0 : i32
    %dma_start3A_10 = arith.constant 0 : i32
    %dma_start3A_11 = tpu.memref_slice %arg3[%dma_start3A_9, %dma_start3A_10] : memref<1000000x32xf32, #tpu.memory_space<hbm>> -> memref<1000000x32xf32, #tpu.memory_space<hbm>>
    tpu.enqueue_indirect_dma source(%dma_start3A_11 : memref<1000000x32xf32, #tpu.memory_space<hbm>>) target(%arg7 : memref<512x32xf32, #tpu.memory_space<vmem>>) offsets(%dma_start3A_8 : memref<512xi32, #tpu.memory_space<vmem>>) semaphore(%arg11 : memref<!tpu.dma_semaphore, #tpu.memory_space<semaphore_mem>>)
    %dma_start3A_12 = arith.constant 1024 : i32
    %dma_start3A_13 = tpu.memref_slice %arg5[%dma_start3A_12] : memref<10240xi32, #tpu.memory_space<vmem>> -> memref<512xi32, #tpu.memory_space<vmem>>
    %dma_start3A_14 = arith.constant 0 : i32
    %dma_start3A_15 = arith.constant 0 : i32
    %dma_start3A_16 = tpu.memref_slice %arg3[%dma_start3A_14, %dma_start3A_15] : memref<1000000x32xf32, #tpu.memory_space<hbm>> -> memref<1000000x32xf32, #tpu.memory_space<hbm>>
    tpu.enqueue_indirect_dma source(%dma_start3A_16 : memref<1000000x32xf32, #tpu.memory_space<hbm>>) target(%arg8 : memref<512x32xf32, #tpu.memory_space<vmem>>) offsets(%dma_start3A_13 : memref<512xi32, #tpu.memory_space<vmem>>) semaphore(%arg12 : memref<!tpu.dma_semaphore, #tpu.memory_space<semaphore_mem>>)
    %dma_wait3A = arith.constant 0 : i32
    %dma_wait3A_17 = tpu.memref_slice %arg5[%dma_wait3A] : memref<10240xi32, #tpu.memory_space<vmem>> -> memref<512xi32, #tpu.memory_space<vmem>>
    %dma_wait3A_18 = arith.constant 0 : i32
    %dma_wait3A_19 = arith.constant 0 : i32
    %dma_wait3A_20 = tpu.memref_slice %arg3[%dma_wait3A_18, %dma_wait3A_19] : memref<1000000x32xf32, #tpu.memory_space<hbm>> -> memref<1000000x32xf32, #tpu.memory_space<hbm>>
    tpu.wait_indirect_dma semaphore(%arg10 : memref<!tpu.dma_semaphore, #tpu.memory_space<semaphore_mem>>) src(%dma_wait3A_20 : memref<1000000x32xf32, #tpu.memory_space<hbm>>) dst(%arg6 : memref<512x32xf32, #tpu.memory_space<vmem>>)
    %add3A_21 = arith.constant 0 : i32
    %add3A_22 = arith.addi %mul3A_2, %add3A_21 : i32
    %dma_start3A_23 = arith.constant 0 : i32
    %dma_start3A_24 = tpu.memref_slice %arg4[%add3A_22, %dma_start3A_23] : memref<327680x32xf32, #tpu.memory_space<hbm>> -> memref<512x32xf32, #tpu.memory_space<hbm>>
    %dma_start3A_25 = arith.constant 0 : i32
    %dma_start3A_26 = tpu.memref_slice %arg4[%add3A_22, %dma_start3A_25] : memref<327680x32xf32, #tpu.memory_space<hbm>> -> memref<512x32xf32, #tpu.memory_space<hbm>>
    tpu.enqueue_dma source(%arg6 : memref<512x32xf32, #tpu.memory_space<vmem>>) target(%dma_start3A_26 : memref<512x32xf32, #tpu.memory_space<hbm>>) target_semaphore(%arg14 : memref<!tpu.dma_semaphore, #tpu.memory_space<semaphore_mem>>)
    %dma_start3A_27 = arith.constant 1536 : i32
    %dma_start3A_28 = tpu.memref_slice %arg5[%dma_start3A_27] : memref<10240xi32, #tpu.memory_space<vmem>> -> memref<512xi32, #tpu.memory_space<vmem>>
    %dma_start3A_29 = arith.constant 0 : i32
    %dma_start3A_30 = arith.constant 0 : i32
    %dma_start3A_31 = tpu.memref_slice %arg3[%dma_start3A_29, %dma_start3A_30] : memref<1000000x32xf32, #tpu.memory_space<hbm>> -> memref<1000000x32xf32, #tpu.memory_space<hbm>>
    tpu.enqueue_indirect_dma source(%dma_start3A_31 : memref<1000000x32xf32, #tpu.memory_space<hbm>>) target(%arg9 : memref<512x32xf32, #tpu.memory_space<vmem>>) offsets(%dma_start3A_28 : memref<512xi32, #tpu.memory_space<vmem>>) semaphore(%arg13 : memref<!tpu.dma_semaphore, #tpu.memory_space<semaphore_mem>>)
    %dma_wait3A_32 = arith.constant 512 : i32
    %dma_wait3A_33 = tpu.memref_slice %arg5[%dma_wait3A_32] : memref<10240xi32, #tpu.memory_space<vmem>> -> memref<512xi32, #tpu.memory_space<vmem>>
    %dma_wait3A_34 = arith.constant 0 : i32
    %dma_wait3A_35 = arith.constant 0 : i32
    %dma_wait3A_36 = tpu.memref_slice %arg3[%dma_wait3A_34, %dma_wait3A_35] : memref<1000000x32xf32, #tpu.memory_space<hbm>> -> memref<1000000x32xf32, #tpu.memory_space<hbm>>
    tpu.wait_indirect_dma semaphore(%arg11 : memref<!tpu.dma_semaphore, #tpu.memory_space<semaphore_mem>>) src(%dma_wait3A_36 : memref<1000000x32xf32, #tpu.memory_space<hbm>>) dst(%arg7 : memref<512x32xf32, #tpu.memory_space<vmem>>)
    %add3A_37 = arith.constant 512 : i32
    %add3A_38 = arith.addi %mul3A_2, %add3A_37 : i32
    %dma_start3A_39 = arith.constant 0 : i32
    %dma_start3A_40 = tpu.memref_slice %arg4[%add3A_38, %dma_start3A_39] : memref<327680x32xf32, #tpu.memory_space<hbm>> -> memref<512x32xf32, #tpu.memory_space<hbm>>
    %dma_start3A_41 = arith.constant 0 : i32
    %dma_start3A_42 = tpu.memref_slice %arg4[%add3A_38, %dma_start3A_41] : memref<327680x32xf32, #tpu.memory_space<hbm>> -> memref<512x32xf32, #tpu.memory_space<hbm>>
    tpu.enqueue_dma source(%arg7 : memref<512x32xf32, #tpu.memory_space<vmem>>) target(%dma_start3A_42 : memref<512x32xf32, #tpu.memory_space<hbm>>) target_semaphore(%arg15 : memref<!tpu.dma_semaphore, #tpu.memory_space<semaphore_mem>>)
    %dma_wait3A_43 = arith.constant 0 : i32
    %dma_wait3A_44 = tpu.memref_slice %arg4[%add3A_22, %dma_wait3A_43] : memref<327680x32xf32, #tpu.memory_space<hbm>> -> memref<512x32xf32, #tpu.memory_space<hbm>>
    %dma_wait3A_45 = arith.constant 0 : i32
    %dma_wait3A_46 = tpu.memref_slice %arg4[%add3A_22, %dma_wait3A_45] : memref<327680x32xf32, #tpu.memory_space<hbm>> -> memref<512x32xf32, #tpu.memory_space<hbm>>
    tpu.wait_dma2 semaphore(%arg14 : memref<!tpu.dma_semaphore, #tpu.memory_space<semaphore_mem>>) src(%arg6 : memref<512x32xf32, #tpu.memory_space<vmem>>) dst(%dma_wait3A_46 : memref<512x32xf32, #tpu.memory_space<hbm>>)
    %dma_start3A_47 = arith.constant 2048 : i32
    %dma_start3A_48 = tpu.memref_slice %arg5[%dma_start3A_47] : memref<10240xi32, #tpu.memory_space<vmem>> -> memref<512xi32, #tpu.memory_space<vmem>>
    %dma_start3A_49 = arith.constant 0 : i32
    %dma_start3A_50 = arith.constant 0 : i32
    %dma_start3A_51 = tpu.memref_slice %arg3[%dma_start3A_49, %dma_start3A_50] : memref<1000000x32xf32, #tpu.memory_space<hbm>> -> memref<1000000x32xf32, #tpu.memory_space<hbm>>
    tpu.enqueue_indirect_dma source(%dma_start3A_51 : memref<1000000x32xf32, #tpu.memory_space<hbm>>) target(%arg6 : memref<512x32xf32, #tpu.memory_space<vmem>>) offsets(%dma_start3A_48 : memref<512xi32, #tpu.memory_space<vmem>>) semaphore(%arg10 : memref<!tpu.dma_semaphore, #tpu.memory_space<semaphore_mem>>)
    %dma_wait3A_52 = arith.constant 1024 : i32
    %dma_wait3A_53 = tpu.memref_slice %arg5[%dma_wait3A_52] : memref<10240xi32, #tpu.memory_space<vmem>> -> memref<512xi32, #tpu.memory_space<vmem>>
    %dma_wait3A_54 = arith.constant 0 : i32
    %dma_wait3A_55 = arith.constant 0 : i32
    %dma_wait3A_56 = tpu.memref_slice %arg3[%dma_wait3A_54, %dma_wait3A_55] : memref<1000000x32xf32, #tpu.memory_space<hbm>> -> memref<1000000x32xf32, #tpu.memory_space<hbm>>
    tpu.wait_indirect_dma semaphore(%arg12 : memref<!tpu.dma_semaphore, #tpu.memory_space<semaphore_mem>>) src(%dma_wait3A_56 : memref<1000000x32xf32, #tpu.memory_space<hbm>>) dst(%arg8 : memref<512x32xf32, #tpu.memory_space<vmem>>)
    %add3A_57 = arith.constant 1024 : i32
    %add3A_58 = arith.addi %mul3A_2, %add3A_57 : i32
    %dma_start3A_59 = arith.constant 0 : i32
    %dma_start3A_60 = tpu.memref_slice %arg4[%add3A_58, %dma_start3A_59] : memref<327680x32xf32, #tpu.memory_space<hbm>> -> memref<512x32xf32, #tpu.memory_space<hbm>>
    %dma_start3A_61 = arith.constant 0 : i32
    %dma_start3A_62 = tpu.memref_slice %arg4[%add3A_58, %dma_start3A_61] : memref<327680x32xf32, #tpu.memory_space<hbm>> -> memref<512x32xf32, #tpu.memory_space<hbm>>
    tpu.enqueue_dma source(%arg8 : memref<512x32xf32, #tpu.memory_space<vmem>>) target(%dma_start3A_62 : memref<512x32xf32, #tpu.memory_space<hbm>>) target_semaphore(%arg16 : memref<!tpu.dma_semaphore, #tpu.memory_space<semaphore_mem>>)
    %dma_wait3A_63 = arith.constant 0 : i32
    %dma_wait3A_64 = tpu.memref_slice %arg4[%add3A_38, %dma_wait3A_63] : memref<327680x32xf32, #tpu.memory_space<hbm>> -> memref<512x32xf32, #tpu.memory_space<hbm>>
    %dma_wait3A_65 = arith.constant 0 : i32
    %dma_wait3A_66 = tpu.memref_slice %arg4[%add3A_38, %dma_wait3A_65] : memref<327680x32xf32, #tpu.memory_space<hbm>> -> memref<512x32xf32, #tpu.memory_space<hbm>>
    tpu.wait_dma2 semaphore(%arg15 : memref<!tpu.dma_semaphore, #tpu.memory_space<semaphore_mem>>) src(%arg7 : memref<512x32xf32, #tpu.memory_space<vmem>>) dst(%dma_wait3A_66 : memref<512x32xf32, #tpu.memory_space<hbm>>)
    %dma_start3A_67 = arith.constant 2560 : i32
    %dma_start3A_68 = tpu.memref_slice %arg5[%dma_start3A_67] : memref<10240xi32, #tpu.memory_space<vmem>> -> memref<512xi32, #tpu.memory_space<vmem>>
    %dma_start3A_69 = arith.constant 0 : i32
    %dma_start3A_70 = arith.constant 0 : i32
    %dma_start3A_71 = tpu.memref_slice %arg3[%dma_start3A_69, %dma_start3A_70] : memref<1000000x32xf32, #tpu.memory_space<hbm>> -> memref<1000000x32xf32, #tpu.memory_space<hbm>>
    tpu.enqueue_indirect_dma source(%dma_start3A_71 : memref<1000000x32xf32, #tpu.memory_space<hbm>>) target(%arg7 : memref<512x32xf32, #tpu.memory_space<vmem>>) offsets(%dma_start3A_68 : memref<512xi32, #tpu.memory_space<vmem>>) semaphore(%arg11 : memref<!tpu.dma_semaphore, #tpu.memory_space<semaphore_mem>>)
    %dma_wait3A_72 = arith.constant 1536 : i32
    %dma_wait3A_73 = tpu.memref_slice %arg5[%dma_wait3A_72] : memref<10240xi32, #tpu.memory_space<vmem>> -> memref<512xi32, #tpu.memory_space<vmem>>
    %dma_wait3A_74 = arith.constant 0 : i32
    %dma_wait3A_75 = arith.constant 0 : i32
    %dma_wait3A_76 = tpu.memref_slice %arg3[%dma_wait3A_74, %dma_wait3A_75] : memref<1000000x32xf32, #tpu.memory_space<hbm>> -> memref<1000000x32xf32, #tpu.memory_space<hbm>>
    tpu.wait_indirect_dma semaphore(%arg13 : memref<!tpu.dma_semaphore, #tpu.memory_space<semaphore_mem>>) src(%dma_wait3A_76 : memref<1000000x32xf32, #tpu.memory_space<hbm>>) dst(%arg9 : memref<512x32xf32, #tpu.memory_space<vmem>>)
    %add3A_77 = arith.constant 1536 : i32
    %add3A_78 = arith.addi %mul3A_2, %add3A_77 : i32
    %dma_start3A_79 = arith.constant 0 : i32
    %dma_start3A_80 = tpu.memref_slice %arg4[%add3A_78, %dma_start3A_79] : memref<327680x32xf32, #tpu.memory_space<hbm>> -> memref<512x32xf32, #tpu.memory_space<hbm>>
    %dma_start3A_81 = arith.constant 0 : i32
    %dma_start3A_82 = tpu.memref_slice %arg4[%add3A_78, %dma_start3A_81] : memref<327680x32xf32, #tpu.memory_space<hbm>> -> memref<512x32xf32, #tpu.memory_space<hbm>>
    tpu.enqueue_dma source(%arg9 : memref<512x32xf32, #tpu.memory_space<vmem>>) target(%dma_start3A_82 : memref<512x32xf32, #tpu.memory_space<hbm>>) target_semaphore(%arg17 : memref<!tpu.dma_semaphore, #tpu.memory_space<semaphore_mem>>)
    %dma_wait3A_83 = arith.constant 0 : i32
    %dma_wait3A_84 = tpu.memref_slice %arg4[%add3A_58, %dma_wait3A_83] : memref<327680x32xf32, #tpu.memory_space<hbm>> -> memref<512x32xf32, #tpu.memory_space<hbm>>
    %dma_wait3A_85 = arith.constant 0 : i32
    %dma_wait3A_86 = tpu.memref_slice %arg4[%add3A_58, %dma_wait3A_85] : memref<327680x32xf32, #tpu.memory_space<hbm>> -> memref<512x32xf32, #tpu.memory_space<hbm>>
    tpu.wait_dma2 semaphore(%arg16 : memref<!tpu.dma_semaphore, #tpu.memory_space<semaphore_mem>>) src(%arg8 : memref<512x32xf32, #tpu.memory_space<vmem>>) dst(%dma_wait3A_86 : memref<512x32xf32, #tpu.memory_space<hbm>>)
    %dma_start3A_87 = arith.constant 3072 : i32
    %dma_start3A_88 = tpu.memref_slice %arg5[%dma_start3A_87] : memref<10240xi32, #tpu.memory_space<vmem>> -> memref<512xi32, #tpu.memory_space<vmem>>
    %dma_start3A_89 = arith.constant 0 : i32
    %dma_start3A_90 = arith.constant 0 : i32
    %dma_start3A_91 = tpu.memref_slice %arg3[%dma_start3A_89, %dma_start3A_90] : memref<1000000x32xf32, #tpu.memory_space<hbm>> -> memref<1000000x32xf32, #tpu.memory_space<hbm>>
    tpu.enqueue_indirect_dma source(%dma_start3A_91 : memref<1000000x32xf32, #tpu.memory_space<hbm>>) target(%arg8 : memref<512x32xf32, #tpu.memory_space<vmem>>) offsets(%dma_start3A_88 : memref<512xi32, #tpu.memory_space<vmem>>) semaphore(%arg12 : memref<!tpu.dma_semaphore, #tpu.memory_space<semaphore_mem>>)
    %dma_wait3A_92 = arith.constant 2048 : i32
    %dma_wait3A_93 = tpu.memref_slice %arg5[%dma_wait3A_92] : memref<10240xi32, #tpu.memory_space<vmem>> -> memref<512xi32, #tpu.memory_space<vmem>>
    %dma_wait3A_94 = arith.constant 0 : i32
    %dma_wait3A_95 = arith.constant 0 : i32
    %dma_wait3A_96 = tpu.memref_slice %arg3[%dma_wait3A_94, %dma_wait3A_95] : memref<1000000x32xf32, #tpu.memory_space<hbm>> -> memref<1000000x32xf32, #tpu.memory_space<hbm>>
    tpu.wait_indirect_dma semaphore(%arg10 : memref<!tpu.dma_semaphore, #tpu.memory_space<semaphore_mem>>) src(%dma_wait3A_96 : memref<1000000x32xf32, #tpu.memory_space<hbm>>) dst(%arg6 : memref<512x32xf32, #tpu.memory_space<vmem>>)
    %add3A_97 = arith.constant 2048 : i32
    %add3A_98 = arith.addi %mul3A_2, %add3A_97 : i32
    %dma_start3A_99 = arith.constant 0 : i32
    %dma_start3A_100 = tpu.memref_slice %arg4[%add3A_98, %dma_start3A_99] : memref<327680x32xf32, #tpu.memory_space<hbm>> -> memref<512x32xf32, #tpu.memory_space<hbm>>
    %dma_start3A_101 = arith.constant 0 : i32
    %dma_start3A_102 = tpu.memref_slice %arg4[%add3A_98, %dma_start3A_101] : memref<327680x32xf32, #tpu.memory_space<hbm>> -> memref<512x32xf32, #tpu.memory_space<hbm>>
    tpu.enqueue_dma source(%arg6 : memref<512x32xf32, #tpu.memory_space<vmem>>) target(%dma_start3A_102 : memref<512x32xf32, #tpu.memory_space<hbm>>) target_semaphore(%arg14 : memref<!tpu.dma_semaphore, #tpu.memory_space<semaphore_mem>>)
    %dma_wait3A_103 = arith.constant 0 : i32
    %dma_wait3A_104 = tpu.memref_slice %arg4[%add3A_78, %dma_wait3A_103] : memref<327680x32xf32, #tpu.memory_space<hbm>> -> memref<512x32xf32, #tpu.memory_space<hbm>>
    %dma_wait3A_105 = arith.constant 0 : i32
    %dma_wait3A_106 = tpu.memref_slice %arg4[%add3A_78, %dma_wait3A_105] : memref<327680x32xf32, #tpu.memory_space<hbm>> -> memref<512x32xf32, #tpu.memory_space<hbm>>
    tpu.wait_dma2 semaphore(%arg17 : memref<!tpu.dma_semaphore, #tpu.memory_space<semaphore_mem>>) src(%arg9 : memref<512x32xf32, #tpu.memory_space<vmem>>) dst(%dma_wait3A_106 : memref<512x32xf32, #tpu.memory_space<hbm>>)
    %dma_start3A_107 = arith.constant 3584 : i32
    %dma_start3A_108 = tpu.memref_slice %arg5[%dma_start3A_107] : memref<10240xi32, #tpu.memory_space<vmem>> -> memref<512xi32, #tpu.memory_space<vmem>>
    %dma_start3A_109 = arith.constant 0 : i32
    %dma_start3A_110 = arith.constant 0 : i32
    %dma_start3A_111 = tpu.memref_slice %arg3[%dma_start3A_109, %dma_start3A_110] : memref<1000000x32xf32, #tpu.memory_space<hbm>> -> memref<1000000x32xf32, #tpu.memory_space<hbm>>
    tpu.enqueue_indirect_dma source(%dma_start3A_111 : memref<1000000x32xf32, #tpu.memory_space<hbm>>) target(%arg9 : memref<512x32xf32, #tpu.memory_space<vmem>>) offsets(%dma_start3A_108 : memref<512xi32, #tpu.memory_space<vmem>>) semaphore(%arg13 : memref<!tpu.dma_semaphore, #tpu.memory_space<semaphore_mem>>)
    %dma_wait3A_112 = arith.constant 2560 : i32
    %dma_wait3A_113 = tpu.memref_slice %arg5[%dma_wait3A_112] : memref<10240xi32, #tpu.memory_space<vmem>> -> memref<512xi32, #tpu.memory_space<vmem>>
    %dma_wait3A_114 = arith.constant 0 : i32
    %dma_wait3A_115 = arith.constant 0 : i32
    %dma_wait3A_116 = tpu.memref_slice %arg3[%dma_wait3A_114, %dma_wait3A_115] : memref<1000000x32xf32, #tpu.memory_space<hbm>> -> memref<1000000x32xf32, #tpu.memory_space<hbm>>
    tpu.wait_indirect_dma semaphore(%arg11 : memref<!tpu.dma_semaphore, #tpu.memory_space<semaphore_mem>>) src(%dma_wait3A_116 : memref<1000000x32xf32, #tpu.memory_space<hbm>>) dst(%arg7 : memref<512x32xf32, #tpu.memory_space<vmem>>)
    %add3A_117 = arith.constant 2560 : i32
    %add3A_118 = arith.addi %mul3A_2, %add3A_117 : i32
    %dma_start3A_119 = arith.constant 0 : i32
    %dma_start3A_120 = tpu.memref_slice %arg4[%add3A_118, %dma_start3A_119] : memref<327680x32xf32, #tpu.memory_space<hbm>> -> memref<512x32xf32, #tpu.memory_space<hbm>>
    %dma_start3A_121 = arith.constant 0 : i32
    %dma_start3A_122 = tpu.memref_slice %arg4[%add3A_118, %dma_start3A_121] : memref<327680x32xf32, #tpu.memory_space<hbm>> -> memref<512x32xf32, #tpu.memory_space<hbm>>
    tpu.enqueue_dma source(%arg7 : memref<512x32xf32, #tpu.memory_space<vmem>>) target(%dma_start3A_122 : memref<512x32xf32, #tpu.memory_space<hbm>>) target_semaphore(%arg15 : memref<!tpu.dma_semaphore, #tpu.memory_space<semaphore_mem>>)
    %dma_wait3A_123 = arith.constant 0 : i32
    %dma_wait3A_124 = tpu.memref_slice %arg4[%add3A_98, %dma_wait3A_123] : memref<327680x32xf32, #tpu.memory_space<hbm>> -> memref<512x32xf32, #tpu.memory_space<hbm>>
    %dma_wait3A_125 = arith.constant 0 : i32
    %dma_wait3A_126 = tpu.memref_slice %arg4[%add3A_98, %dma_wait3A_125] : memref<327680x32xf32, #tpu.memory_space<hbm>> -> memref<512x32xf32, #tpu.memory_space<hbm>>
    tpu.wait_dma2 semaphore(%arg14 : memref<!tpu.dma_semaphore, #tpu.memory_space<semaphore_mem>>) src(%arg6 : memref<512x32xf32, #tpu.memory_space<vmem>>) dst(%dma_wait3A_126 : memref<512x32xf32, #tpu.memory_space<hbm>>)
    %dma_start3A_127 = arith.constant 4096 : i32
    %dma_start3A_128 = tpu.memref_slice %arg5[%dma_start3A_127] : memref<10240xi32, #tpu.memory_space<vmem>> -> memref<512xi32, #tpu.memory_space<vmem>>
    %dma_start3A_129 = arith.constant 0 : i32
    %dma_start3A_130 = arith.constant 0 : i32
    %dma_start3A_131 = tpu.memref_slice %arg3[%dma_start3A_129, %dma_start3A_130] : memref<1000000x32xf32, #tpu.memory_space<hbm>> -> memref<1000000x32xf32, #tpu.memory_space<hbm>>
    tpu.enqueue_indirect_dma source(%dma_start3A_131 : memref<1000000x32xf32, #tpu.memory_space<hbm>>) target(%arg6 : memref<512x32xf32, #tpu.memory_space<vmem>>) offsets(%dma_start3A_128 : memref<512xi32, #tpu.memory_space<vmem>>) semaphore(%arg10 : memref<!tpu.dma_semaphore, #tpu.memory_space<semaphore_mem>>)
    %dma_wait3A_132 = arith.constant 3072 : i32
    %dma_wait3A_133 = tpu.memref_slice %arg5[%dma_wait3A_132] : memref<10240xi32, #tpu.memory_space<vmem>> -> memref<512xi32, #tpu.memory_space<vmem>>
    %dma_wait3A_134 = arith.constant 0 : i32
    %dma_wait3A_135 = arith.constant 0 : i32
    %dma_wait3A_136 = tpu.memref_slice %arg3[%dma_wait3A_134, %dma_wait3A_135] : memref<1000000x32xf32, #tpu.memory_space<hbm>> -> memref<1000000x32xf32, #tpu.memory_space<hbm>>
    tpu.wait_indirect_dma semaphore(%arg12 : memref<!tpu.dma_semaphore, #tpu.memory_space<semaphore_mem>>) src(%dma_wait3A_136 : memref<1000000x32xf32, #tpu.memory_space<hbm>>) dst(%arg8 : memref<512x32xf32, #tpu.memory_space<vmem>>)
    %add3A_137 = arith.constant 3072 : i32
    %add3A_138 = arith.addi %mul3A_2, %add3A_137 : i32
    %dma_start3A_139 = arith.constant 0 : i32
    %dma_start3A_140 = tpu.memref_slice %arg4[%add3A_138, %dma_start3A_139] : memref<327680x32xf32, #tpu.memory_space<hbm>> -> memref<512x32xf32, #tpu.memory_space<hbm>>
    %dma_start3A_141 = arith.constant 0 : i32
    %dma_start3A_142 = tpu.memref_slice %arg4[%add3A_138, %dma_start3A_141] : memref<327680x32xf32, #tpu.memory_space<hbm>> -> memref<512x32xf32, #tpu.memory_space<hbm>>
    tpu.enqueue_dma source(%arg8 : memref<512x32xf32, #tpu.memory_space<vmem>>) target(%dma_start3A_142 : memref<512x32xf32, #tpu.memory_space<hbm>>) target_semaphore(%arg16 : memref<!tpu.dma_semaphore, #tpu.memory_space<semaphore_mem>>)
    %dma_wait3A_143 = arith.constant 0 : i32
    %dma_wait3A_144 = tpu.memref_slice %arg4[%add3A_118, %dma_wait3A_143] : memref<327680x32xf32, #tpu.memory_space<hbm>> -> memref<512x32xf32, #tpu.memory_space<hbm>>
    %dma_wait3A_145 = arith.constant 0 : i32
    %dma_wait3A_146 = tpu.memref_slice %arg4[%add3A_118, %dma_wait3A_145] : memref<327680x32xf32, #tpu.memory_space<hbm>> -> memref<512x32xf32, #tpu.memory_space<hbm>>
    tpu.wait_dma2 semaphore(%arg15 : memref<!tpu.dma_semaphore, #tpu.memory_space<semaphore_mem>>) src(%arg7 : memref<512x32xf32, #tpu.memory_space<vmem>>) dst(%dma_wait3A_146 : memref<512x32xf32, #tpu.memory_space<hbm>>)
    %dma_start3A_147 = arith.constant 4608 : i32
    %dma_start3A_148 = tpu.memref_slice %arg5[%dma_start3A_147] : memref<10240xi32, #tpu.memory_space<vmem>> -> memref<512xi32, #tpu.memory_space<vmem>>
    %dma_start3A_149 = arith.constant 0 : i32
    %dma_start3A_150 = arith.constant 0 : i32
    %dma_start3A_151 = tpu.memref_slice %arg3[%dma_start3A_149, %dma_start3A_150] : memref<1000000x32xf32, #tpu.memory_space<hbm>> -> memref<1000000x32xf32, #tpu.memory_space<hbm>>
    tpu.enqueue_indirect_dma source(%dma_start3A_151 : memref<1000000x32xf32, #tpu.memory_space<hbm>>) target(%arg7 : memref<512x32xf32, #tpu.memory_space<vmem>>) offsets(%dma_start3A_148 : memref<512xi32, #tpu.memory_space<vmem>>) semaphore(%arg11 : memref<!tpu.dma_semaphore, #tpu.memory_space<semaphore_mem>>)
    %dma_wait3A_152 = arith.constant 3584 : i32
    %dma_wait3A_153 = tpu.memref_slice %arg5[%dma_wait3A_152] : memref<10240xi32, #tpu.memory_space<vmem>> -> memref<512xi32, #tpu.memory_space<vmem>>
    %dma_wait3A_154 = arith.constant 0 : i32
    %dma_wait3A_155 = arith.constant 0 : i32
    %dma_wait3A_156 = tpu.memref_slice %arg3[%dma_wait3A_154, %dma_wait3A_155] : memref<1000000x32xf32, #tpu.memory_space<hbm>> -> memref<1000000x32xf32, #tpu.memory_space<hbm>>
    tpu.wait_indirect_dma semaphore(%arg13 : memref<!tpu.dma_semaphore, #tpu.memory_space<semaphore_mem>>) src(%dma_wait3A_156 : memref<1000000x32xf32, #tpu.memory_space<hbm>>) dst(%arg9 : memref<512x32xf32, #tpu.memory_space<vmem>>)
    %add3A_157 = arith.constant 3584 : i32
    %add3A_158 = arith.addi %mul3A_2, %add3A_157 : i32
    %dma_start3A_159 = arith.constant 0 : i32
    %dma_start3A_160 = tpu.memref_slice %arg4[%add3A_158, %dma_start3A_159] : memref<327680x32xf32, #tpu.memory_space<hbm>> -> memref<512x32xf32, #tpu.memory_space<hbm>>
    %dma_start3A_161 = arith.constant 0 : i32
    %dma_start3A_162 = tpu.memref_slice %arg4[%add3A_158, %dma_start3A_161] : memref<327680x32xf32, #tpu.memory_space<hbm>> -> memref<512x32xf32, #tpu.memory_space<hbm>>
    tpu.enqueue_dma source(%arg9 : memref<512x32xf32, #tpu.memory_space<vmem>>) target(%dma_start3A_162 : memref<512x32xf32, #tpu.memory_space<hbm>>) target_semaphore(%arg17 : memref<!tpu.dma_semaphore, #tpu.memory_space<semaphore_mem>>)
    %dma_wait3A_163 = arith.constant 0 : i32
    %dma_wait3A_164 = tpu.memref_slice %arg4[%add3A_138, %dma_wait3A_163] : memref<327680x32xf32, #tpu.memory_space<hbm>> -> memref<512x32xf32, #tpu.memory_space<hbm>>
    %dma_wait3A_165 = arith.constant 0 : i32
    %dma_wait3A_166 = tpu.memref_slice %arg4[%add3A_138, %dma_wait3A_165] : memref<327680x32xf32, #tpu.memory_space<hbm>> -> memref<512x32xf32, #tpu.memory_space<hbm>>
    tpu.wait_dma2 semaphore(%arg16 : memref<!tpu.dma_semaphore, #tpu.memory_space<semaphore_mem>>) src(%arg8 : memref<512x32xf32, #tpu.memory_space<vmem>>) dst(%dma_wait3A_166 : memref<512x32xf32, #tpu.memory_space<hbm>>)
    %dma_start3A_167 = arith.constant 5120 : i32
    %dma_start3A_168 = tpu.memref_slice %arg5[%dma_start3A_167] : memref<10240xi32, #tpu.memory_space<vmem>> -> memref<512xi32, #tpu.memory_space<vmem>>
    %dma_start3A_169 = arith.constant 0 : i32
    %dma_start3A_170 = arith.constant 0 : i32
    %dma_start3A_171 = tpu.memref_slice %arg3[%dma_start3A_169, %dma_start3A_170] : memref<1000000x32xf32, #tpu.memory_space<hbm>> -> memref<1000000x32xf32, #tpu.memory_space<hbm>>
    tpu.enqueue_indirect_dma source(%dma_start3A_171 : memref<1000000x32xf32, #tpu.memory_space<hbm>>) target(%arg8 : memref<512x32xf32, #tpu.memory_space<vmem>>) offsets(%dma_start3A_168 : memref<512xi32, #tpu.memory_space<vmem>>) semaphore(%arg12 : memref<!tpu.dma_semaphore, #tpu.memory_space<semaphore_mem>>)
    %dma_wait3A_172 = arith.constant 4096 : i32
    %dma_wait3A_173 = tpu.memref_slice %arg5[%dma_wait3A_172] : memref<10240xi32, #tpu.memory_space<vmem>> -> memref<512xi32, #tpu.memory_space<vmem>>
    %dma_wait3A_174 = arith.constant 0 : i32
    %dma_wait3A_175 = arith.constant 0 : i32
    %dma_wait3A_176 = tpu.memref_slice %arg3[%dma_wait3A_174, %dma_wait3A_175] : memref<1000000x32xf32, #tpu.memory_space<hbm>> -> memref<1000000x32xf32, #tpu.memory_space<hbm>>
    tpu.wait_indirect_dma semaphore(%arg10 : memref<!tpu.dma_semaphore, #tpu.memory_space<semaphore_mem>>) src(%dma_wait3A_176 : memref<1000000x32xf32, #tpu.memory_space<hbm>>) dst(%arg6 : memref<512x32xf32, #tpu.memory_space<vmem>>)
    %add3A_177 = arith.constant 4096 : i32
    %add3A_178 = arith.addi %mul3A_2, %add3A_177 : i32
    %dma_start3A_179 = arith.constant 0 : i32
    %dma_start3A_180 = tpu.memref_slice %arg4[%add3A_178, %dma_start3A_179] : memref<327680x32xf32, #tpu.memory_space<hbm>> -> memref<512x32xf32, #tpu.memory_space<hbm>>
    %dma_start3A_181 = arith.constant 0 : i32
    %dma_start3A_182 = tpu.memref_slice %arg4[%add3A_178, %dma_start3A_181] : memref<327680x32xf32, #tpu.memory_space<hbm>> -> memref<512x32xf32, #tpu.memory_space<hbm>>
    tpu.enqueue_dma source(%arg6 : memref<512x32xf32, #tpu.memory_space<vmem>>) target(%dma_start3A_182 : memref<512x32xf32, #tpu.memory_space<hbm>>) target_semaphore(%arg14 : memref<!tpu.dma_semaphore, #tpu.memory_space<semaphore_mem>>)
    %dma_wait3A_183 = arith.constant 0 : i32
    %dma_wait3A_184 = tpu.memref_slice %arg4[%add3A_158, %dma_wait3A_183] : memref<327680x32xf32, #tpu.memory_space<hbm>> -> memref<512x32xf32, #tpu.memory_space<hbm>>
    %dma_wait3A_185 = arith.constant 0 : i32
    %dma_wait3A_186 = tpu.memref_slice %arg4[%add3A_158, %dma_wait3A_185] : memref<327680x32xf32, #tpu.memory_space<hbm>> -> memref<512x32xf32, #tpu.memory_space<hbm>>
    tpu.wait_dma2 semaphore(%arg17 : memref<!tpu.dma_semaphore, #tpu.memory_space<semaphore_mem>>) src(%arg9 : memref<512x32xf32, #tpu.memory_space<vmem>>) dst(%dma_wait3A_186 : memref<512x32xf32, #tpu.memory_space<hbm>>)
    %dma_start3A_187 = arith.constant 5632 : i32
    %dma_start3A_188 = tpu.memref_slice %arg5[%dma_start3A_187] : memref<10240xi32, #tpu.memory_space<vmem>> -> memref<512xi32, #tpu.memory_space<vmem>>
    %dma_start3A_189 = arith.constant 0 : i32
    %dma_start3A_190 = arith.constant 0 : i32
    %dma_start3A_191 = tpu.memref_slice %arg3[%dma_start3A_189, %dma_start3A_190] : memref<1000000x32xf32, #tpu.memory_space<hbm>> -> memref<1000000x32xf32, #tpu.memory_space<hbm>>
    tpu.enqueue_indirect_dma source(%dma_start3A_191 : memref<1000000x32xf32, #tpu.memory_space<hbm>>) target(%arg9 : memref<512x32xf32, #tpu.memory_space<vmem>>) offsets(%dma_start3A_188 : memref<512xi32, #tpu.memory_space<vmem>>) semaphore(%arg13 : memref<!tpu.dma_semaphore, #tpu.memory_space<semaphore_mem>>)
    %dma_wait3A_192 = arith.constant 4608 : i32
    %dma_wait3A_193 = tpu.memref_slice %arg5[%dma_wait3A_192] : memref<10240xi32, #tpu.memory_space<vmem>> -> memref<512xi32, #tpu.memory_space<vmem>>
    %dma_wait3A_194 = arith.constant 0 : i32
    %dma_wait3A_195 = arith.constant 0 : i32
    %dma_wait3A_196 = tpu.memref_slice %arg3[%dma_wait3A_194, %dma_wait3A_195] : memref<1000000x32xf32, #tpu.memory_space<hbm>> -> memref<1000000x32xf32, #tpu.memory_space<hbm>>
    tpu.wait_indirect_dma semaphore(%arg11 : memref<!tpu.dma_semaphore, #tpu.memory_space<semaphore_mem>>) src(%dma_wait3A_196 : memref<1000000x32xf32, #tpu.memory_space<hbm>>) dst(%arg7 : memref<512x32xf32, #tpu.memory_space<vmem>>)
    %add3A_197 = arith.constant 4608 : i32
    %add3A_198 = arith.addi %mul3A_2, %add3A_197 : i32
    %dma_start3A_199 = arith.constant 0 : i32
    %dma_start3A_200 = tpu.memref_slice %arg4[%add3A_198, %dma_start3A_199] : memref<327680x32xf32, #tpu.memory_space<hbm>> -> memref<512x32xf32, #tpu.memory_space<hbm>>
    %dma_start3A_201 = arith.constant 0 : i32
    %dma_start3A_202 = tpu.memref_slice %arg4[%add3A_198, %dma_start3A_201] : memref<327680x32xf32, #tpu.memory_space<hbm>> -> memref<512x32xf32, #tpu.memory_space<hbm>>
    tpu.enqueue_dma source(%arg7 : memref<512x32xf32, #tpu.memory_space<vmem>>) target(%dma_start3A_202 : memref<512x32xf32, #tpu.memory_space<hbm>>) target_semaphore(%arg15 : memref<!tpu.dma_semaphore, #tpu.memory_space<semaphore_mem>>)
    %dma_wait3A_203 = arith.constant 0 : i32
    %dma_wait3A_204 = tpu.memref_slice %arg4[%add3A_178, %dma_wait3A_203] : memref<327680x32xf32, #tpu.memory_space<hbm>> -> memref<512x32xf32, #tpu.memory_space<hbm>>
    %dma_wait3A_205 = arith.constant 0 : i32
    %dma_wait3A_206 = tpu.memref_slice %arg4[%add3A_178, %dma_wait3A_205] : memref<327680x32xf32, #tpu.memory_space<hbm>> -> memref<512x32xf32, #tpu.memory_space<hbm>>
    tpu.wait_dma2 semaphore(%arg14 : memref<!tpu.dma_semaphore, #tpu.memory_space<semaphore_mem>>) src(%arg6 : memref<512x32xf32, #tpu.memory_space<vmem>>) dst(%dma_wait3A_206 : memref<512x32xf32, #tpu.memory_space<hbm>>)
    %dma_start3A_207 = arith.constant 6144 : i32
    %dma_start3A_208 = tpu.memref_slice %arg5[%dma_start3A_207] : memref<10240xi32, #tpu.memory_space<vmem>> -> memref<512xi32, #tpu.memory_space<vmem>>
    %dma_start3A_209 = arith.constant 0 : i32
    %dma_start3A_210 = arith.constant 0 : i32
    %dma_start3A_211 = tpu.memref_slice %arg3[%dma_start3A_209, %dma_start3A_210] : memref<1000000x32xf32, #tpu.memory_space<hbm>> -> memref<1000000x32xf32, #tpu.memory_space<hbm>>
    tpu.enqueue_indirect_dma source(%dma_start3A_211 : memref<1000000x32xf32, #tpu.memory_space<hbm>>) target(%arg6 : memref<512x32xf32, #tpu.memory_space<vmem>>) offsets(%dma_start3A_208 : memref<512xi32, #tpu.memory_space<vmem>>) semaphore(%arg10 : memref<!tpu.dma_semaphore, #tpu.memory_space<semaphore_mem>>)
    %dma_wait3A_212 = arith.constant 5120 : i32
    %dma_wait3A_213 = tpu.memref_slice %arg5[%dma_wait3A_212] : memref<10240xi32, #tpu.memory_space<vmem>> -> memref<512xi32, #tpu.memory_space<vmem>>
    %dma_wait3A_214 = arith.constant 0 : i32
    %dma_wait3A_215 = arith.constant 0 : i32
    %dma_wait3A_216 = tpu.memref_slice %arg3[%dma_wait3A_214, %dma_wait3A_215] : memref<1000000x32xf32, #tpu.memory_space<hbm>> -> memref<1000000x32xf32, #tpu.memory_space<hbm>>
    tpu.wait_indirect_dma semaphore(%arg12 : memref<!tpu.dma_semaphore, #tpu.memory_space<semaphore_mem>>) src(%dma_wait3A_216 : memref<1000000x32xf32, #tpu.memory_space<hbm>>) dst(%arg8 : memref<512x32xf32, #tpu.memory_space<vmem>>)
    %add3A_217 = arith.constant 5120 : i32
    %add3A_218 = arith.addi %mul3A_2, %add3A_217 : i32
    %dma_start3A_219 = arith.constant 0 : i32
    %dma_start3A_220 = tpu.memref_slice %arg4[%add3A_218, %dma_start3A_219] : memref<327680x32xf32, #tpu.memory_space<hbm>> -> memref<512x32xf32, #tpu.memory_space<hbm>>
    %dma_start3A_221 = arith.constant 0 : i32
    %dma_start3A_222 = tpu.memref_slice %arg4[%add3A_218, %dma_start3A_221] : memref<327680x32xf32, #tpu.memory_space<hbm>> -> memref<512x32xf32, #tpu.memory_space<hbm>>
    tpu.enqueue_dma source(%arg8 : memref<512x32xf32, #tpu.memory_space<vmem>>) target(%dma_start3A_222 : memref<512x32xf32, #tpu.memory_space<hbm>>) target_semaphore(%arg16 : memref<!tpu.dma_semaphore, #tpu.memory_space<semaphore_mem>>)
    %dma_wait3A_223 = arith.constant 0 : i32
    %dma_wait3A_224 = tpu.memref_slice %arg4[%add3A_198, %dma_wait3A_223] : memref<327680x32xf32, #tpu.memory_space<hbm>> -> memref<512x32xf32, #tpu.memory_space<hbm>>
    %dma_wait3A_225 = arith.constant 0 : i32
    %dma_wait3A_226 = tpu.memref_slice %arg4[%add3A_198, %dma_wait3A_225] : memref<327680x32xf32, #tpu.memory_space<hbm>> -> memref<512x32xf32, #tpu.memory_space<hbm>>
    tpu.wait_dma2 semaphore(%arg15 : memref<!tpu.dma_semaphore, #tpu.memory_space<semaphore_mem>>) src(%arg7 : memref<512x32xf32, #tpu.memory_space<vmem>>) dst(%dma_wait3A_226 : memref<512x32xf32, #tpu.memory_space<hbm>>)
    %dma_start3A_227 = arith.constant 6656 : i32
    %dma_start3A_228 = tpu.memref_slice %arg5[%dma_start3A_227] : memref<10240xi32, #tpu.memory_space<vmem>> -> memref<512xi32, #tpu.memory_space<vmem>>
    %dma_start3A_229 = arith.constant 0 : i32
    %dma_start3A_230 = arith.constant 0 : i32
    %dma_start3A_231 = tpu.memref_slice %arg3[%dma_start3A_229, %dma_start3A_230] : memref<1000000x32xf32, #tpu.memory_space<hbm>> -> memref<1000000x32xf32, #tpu.memory_space<hbm>>
    tpu.enqueue_indirect_dma source(%dma_start3A_231 : memref<1000000x32xf32, #tpu.memory_space<hbm>>) target(%arg7 : memref<512x32xf32, #tpu.memory_space<vmem>>) offsets(%dma_start3A_228 : memref<512xi32, #tpu.memory_space<vmem>>) semaphore(%arg11 : memref<!tpu.dma_semaphore, #tpu.memory_space<semaphore_mem>>)
    %dma_wait3A_232 = arith.constant 5632 : i32
    %dma_wait3A_233 = tpu.memref_slice %arg5[%dma_wait3A_232] : memref<10240xi32, #tpu.memory_space<vmem>> -> memref<512xi32, #tpu.memory_space<vmem>>
    %dma_wait3A_234 = arith.constant 0 : i32
    %dma_wait3A_235 = arith.constant 0 : i32
    %dma_wait3A_236 = tpu.memref_slice %arg3[%dma_wait3A_234, %dma_wait3A_235] : memref<1000000x32xf32, #tpu.memory_space<hbm>> -> memref<1000000x32xf32, #tpu.memory_space<hbm>>
    tpu.wait_indirect_dma semaphore(%arg13 : memref<!tpu.dma_semaphore, #tpu.memory_space<semaphore_mem>>) src(%dma_wait3A_236 : memref<1000000x32xf32, #tpu.memory_space<hbm>>) dst(%arg9 : memref<512x32xf32, #tpu.memory_space<vmem>>)
    %add3A_237 = arith.constant 5632 : i32
    %add3A_238 = arith.addi %mul3A_2, %add3A_237 : i32
    %dma_start3A_239 = arith.constant 0 : i32
    %dma_start3A_240 = tpu.memref_slice %arg4[%add3A_238, %dma_start3A_239] : memref<327680x32xf32, #tpu.memory_space<hbm>> -> memref<512x32xf32, #tpu.memory_space<hbm>>
    %dma_start3A_241 = arith.constant 0 : i32
    %dma_start3A_242 = tpu.memref_slice %arg4[%add3A_238, %dma_start3A_241] : memref<327680x32xf32, #tpu.memory_space<hbm>> -> memref<512x32xf32, #tpu.memory_space<hbm>>
    tpu.enqueue_dma source(%arg9 : memref<512x32xf32, #tpu.memory_space<vmem>>) target(%dma_start3A_242 : memref<512x32xf32, #tpu.memory_space<hbm>>) target_semaphore(%arg17 : memref<!tpu.dma_semaphore, #tpu.memory_space<semaphore_mem>>)
    %dma_wait3A_243 = arith.constant 0 : i32
    %dma_wait3A_244 = tpu.memref_slice %arg4[%add3A_218, %dma_wait3A_243] : memref<327680x32xf32, #tpu.memory_space<hbm>> -> memref<512x32xf32, #tpu.memory_space<hbm>>
    %dma_wait3A_245 = arith.constant 0 : i32
    %dma_wait3A_246 = tpu.memref_slice %arg4[%add3A_218, %dma_wait3A_245] : memref<327680x32xf32, #tpu.memory_space<hbm>> -> memref<512x32xf32, #tpu.memory_space<hbm>>
    tpu.wait_dma2 semaphore(%arg16 : memref<!tpu.dma_semaphore, #tpu.memory_space<semaphore_mem>>) src(%arg8 : memref<512x32xf32, #tpu.memory_space<vmem>>) dst(%dma_wait3A_246 : memref<512x32xf32, #tpu.memory_space<hbm>>)
    %dma_start3A_247 = arith.constant 7168 : i32
    %dma_start3A_248 = tpu.memref_slice %arg5[%dma_start3A_247] : memref<10240xi32, #tpu.memory_space<vmem>> -> memref<512xi32, #tpu.memory_space<vmem>>
    %dma_start3A_249 = arith.constant 0 : i32
    %dma_start3A_250 = arith.constant 0 : i32
    %dma_start3A_251 = tpu.memref_slice %arg3[%dma_start3A_249, %dma_start3A_250] : memref<1000000x32xf32, #tpu.memory_space<hbm>> -> memref<1000000x32xf32, #tpu.memory_space<hbm>>
    tpu.enqueue_indirect_dma source(%dma_start3A_251 : memref<1000000x32xf32, #tpu.memory_space<hbm>>) target(%arg8 : memref<512x32xf32, #tpu.memory_space<vmem>>) offsets(%dma_start3A_248 : memref<512xi32, #tpu.memory_space<vmem>>) semaphore(%arg12 : memref<!tpu.dma_semaphore, #tpu.memory_space<semaphore_mem>>)
    %dma_wait3A_252 = arith.constant 6144 : i32
    %dma_wait3A_253 = tpu.memref_slice %arg5[%dma_wait3A_252] : memref<10240xi32, #tpu.memory_space<vmem>> -> memref<512xi32, #tpu.memory_space<vmem>>
    %dma_wait3A_254 = arith.constant 0 : i32
    %dma_wait3A_255 = arith.constant 0 : i32
    %dma_wait3A_256 = tpu.memref_slice %arg3[%dma_wait3A_254, %dma_wait3A_255] : memref<1000000x32xf32, #tpu.memory_space<hbm>> -> memref<1000000x32xf32, #tpu.memory_space<hbm>>
    tpu.wait_indirect_dma semaphore(%arg10 : memref<!tpu.dma_semaphore, #tpu.memory_space<semaphore_mem>>) src(%dma_wait3A_256 : memref<1000000x32xf32, #tpu.memory_space<hbm>>) dst(%arg6 : memref<512x32xf32, #tpu.memory_space<vmem>>)
    %add3A_257 = arith.constant 6144 : i32
    %add3A_258 = arith.addi %mul3A_2, %add3A_257 : i32
    %dma_start3A_259 = arith.constant 0 : i32
    %dma_start3A_260 = tpu.memref_slice %arg4[%add3A_258, %dma_start3A_259] : memref<327680x32xf32, #tpu.memory_space<hbm>> -> memref<512x32xf32, #tpu.memory_space<hbm>>
    %dma_start3A_261 = arith.constant 0 : i32
    %dma_start3A_262 = tpu.memref_slice %arg4[%add3A_258, %dma_start3A_261] : memref<327680x32xf32, #tpu.memory_space<hbm>> -> memref<512x32xf32, #tpu.memory_space<hbm>>
    tpu.enqueue_dma source(%arg6 : memref<512x32xf32, #tpu.memory_space<vmem>>) target(%dma_start3A_262 : memref<512x32xf32, #tpu.memory_space<hbm>>) target_semaphore(%arg14 : memref<!tpu.dma_semaphore, #tpu.memory_space<semaphore_mem>>)
    %dma_wait3A_263 = arith.constant 0 : i32
    %dma_wait3A_264 = tpu.memref_slice %arg4[%add3A_238, %dma_wait3A_263] : memref<327680x32xf32, #tpu.memory_space<hbm>> -> memref<512x32xf32, #tpu.memory_space<hbm>>
    %dma_wait3A_265 = arith.constant 0 : i32
    %dma_wait3A_266 = tpu.memref_slice %arg4[%add3A_238, %dma_wait3A_265] : memref<327680x32xf32, #tpu.memory_space<hbm>> -> memref<512x32xf32, #tpu.memory_space<hbm>>
    tpu.wait_dma2 semaphore(%arg17 : memref<!tpu.dma_semaphore, #tpu.memory_space<semaphore_mem>>) src(%arg9 : memref<512x32xf32, #tpu.memory_space<vmem>>) dst(%dma_wait3A_266 : memref<512x32xf32, #tpu.memory_space<hbm>>)
    %dma_start3A_267 = arith.constant 7680 : i32
    %dma_start3A_268 = tpu.memref_slice %arg5[%dma_start3A_267] : memref<10240xi32, #tpu.memory_space<vmem>> -> memref<512xi32, #tpu.memory_space<vmem>>
    %dma_start3A_269 = arith.constant 0 : i32
    %dma_start3A_270 = arith.constant 0 : i32
    %dma_start3A_271 = tpu.memref_slice %arg3[%dma_start3A_269, %dma_start3A_270] : memref<1000000x32xf32, #tpu.memory_space<hbm>> -> memref<1000000x32xf32, #tpu.memory_space<hbm>>
    tpu.enqueue_indirect_dma source(%dma_start3A_271 : memref<1000000x32xf32, #tpu.memory_space<hbm>>) target(%arg9 : memref<512x32xf32, #tpu.memory_space<vmem>>) offsets(%dma_start3A_268 : memref<512xi32, #tpu.memory_space<vmem>>) semaphore(%arg13 : memref<!tpu.dma_semaphore, #tpu.memory_space<semaphore_mem>>)
    %dma_wait3A_272 = arith.constant 6656 : i32
    %dma_wait3A_273 = tpu.memref_slice %arg5[%dma_wait3A_272] : memref<10240xi32, #tpu.memory_space<vmem>> -> memref<512xi32, #tpu.memory_space<vmem>>
    %dma_wait3A_274 = arith.constant 0 : i32
    %dma_wait3A_275 = arith.constant 0 : i32
    %dma_wait3A_276 = tpu.memref_slice %arg3[%dma_wait3A_274, %dma_wait3A_275] : memref<1000000x32xf32, #tpu.memory_space<hbm>> -> memref<1000000x32xf32, #tpu.memory_space<hbm>>
    tpu.wait_indirect_dma semaphore(%arg11 : memref<!tpu.dma_semaphore, #tpu.memory_space<semaphore_mem>>) src(%dma_wait3A_276 : memref<1000000x32xf32, #tpu.memory_space<hbm>>) dst(%arg7 : memref<512x32xf32, #tpu.memory_space<vmem>>)
    %add3A_277 = arith.constant 6656 : i32
    %add3A_278 = arith.addi %mul3A_2, %add3A_277 : i32
    %dma_start3A_279 = arith.constant 0 : i32
    %dma_start3A_280 = tpu.memref_slice %arg4[%add3A_278, %dma_start3A_279] : memref<327680x32xf32, #tpu.memory_space<hbm>> -> memref<512x32xf32, #tpu.memory_space<hbm>>
    %dma_start3A_281 = arith.constant 0 : i32
    %dma_start3A_282 = tpu.memref_slice %arg4[%add3A_278, %dma_start3A_281] : memref<327680x32xf32, #tpu.memory_space<hbm>> -> memref<512x32xf32, #tpu.memory_space<hbm>>
    tpu.enqueue_dma source(%arg7 : memref<512x32xf32, #tpu.memory_space<vmem>>) target(%dma_start3A_282 : memref<512x32xf32, #tpu.memory_space<hbm>>) target_semaphore(%arg15 : memref<!tpu.dma_semaphore, #tpu.memory_space<semaphore_mem>>)
    %dma_wait3A_283 = arith.constant 0 : i32
    %dma_wait3A_284 = tpu.memref_slice %arg4[%add3A_258, %dma_wait3A_283] : memref<327680x32xf32, #tpu.memory_space<hbm>> -> memref<512x32xf32, #tpu.memory_space<hbm>>
    %dma_wait3A_285 = arith.constant 0 : i32
    %dma_wait3A_286 = tpu.memref_slice %arg4[%add3A_258, %dma_wait3A_285] : memref<327680x32xf32, #tpu.memory_space<hbm>> -> memref<512x32xf32, #tpu.memory_space<hbm>>
    tpu.wait_dma2 semaphore(%arg14 : memref<!tpu.dma_semaphore, #tpu.memory_space<semaphore_mem>>) src(%arg6 : memref<512x32xf32, #tpu.memory_space<vmem>>) dst(%dma_wait3A_286 : memref<512x32xf32, #tpu.memory_space<hbm>>)
    %dma_start3A_287 = arith.constant 8192 : i32
    %dma_start3A_288 = tpu.memref_slice %arg5[%dma_start3A_287] : memref<10240xi32, #tpu.memory_space<vmem>> -> memref<512xi32, #tpu.memory_space<vmem>>
    %dma_start3A_289 = arith.constant 0 : i32
    %dma_start3A_290 = arith.constant 0 : i32
    %dma_start3A_291 = tpu.memref_slice %arg3[%dma_start3A_289, %dma_start3A_290] : memref<1000000x32xf32, #tpu.memory_space<hbm>> -> memref<1000000x32xf32, #tpu.memory_space<hbm>>
    tpu.enqueue_indirect_dma source(%dma_start3A_291 : memref<1000000x32xf32, #tpu.memory_space<hbm>>) target(%arg6 : memref<512x32xf32, #tpu.memory_space<vmem>>) offsets(%dma_start3A_288 : memref<512xi32, #tpu.memory_space<vmem>>) semaphore(%arg10 : memref<!tpu.dma_semaphore, #tpu.memory_space<semaphore_mem>>)
    %dma_wait3A_292 = arith.constant 7168 : i32
    %dma_wait3A_293 = tpu.memref_slice %arg5[%dma_wait3A_292] : memref<10240xi32, #tpu.memory_space<vmem>> -> memref<512xi32, #tpu.memory_space<vmem>>
    %dma_wait3A_294 = arith.constant 0 : i32
    %dma_wait3A_295 = arith.constant 0 : i32
    %dma_wait3A_296 = tpu.memref_slice %arg3[%dma_wait3A_294, %dma_wait3A_295] : memref<1000000x32xf32, #tpu.memory_space<hbm>> -> memref<1000000x32xf32, #tpu.memory_space<hbm>>
    tpu.wait_indirect_dma semaphore(%arg12 : memref<!tpu.dma_semaphore, #tpu.memory_space<semaphore_mem>>) src(%dma_wait3A_296 : memref<1000000x32xf32, #tpu.memory_space<hbm>>) dst(%arg8 : memref<512x32xf32, #tpu.memory_space<vmem>>)
    %add3A_297 = arith.constant 7168 : i32
    %add3A_298 = arith.addi %mul3A_2, %add3A_297 : i32
    %dma_start3A_299 = arith.constant 0 : i32
    %dma_start3A_300 = tpu.memref_slice %arg4[%add3A_298, %dma_start3A_299] : memref<327680x32xf32, #tpu.memory_space<hbm>> -> memref<512x32xf32, #tpu.memory_space<hbm>>
    %dma_start3A_301 = arith.constant 0 : i32
    %dma_start3A_302 = tpu.memref_slice %arg4[%add3A_298, %dma_start3A_301] : memref<327680x32xf32, #tpu.memory_space<hbm>> -> memref<512x32xf32, #tpu.memory_space<hbm>>
    tpu.enqueue_dma source(%arg8 : memref<512x32xf32, #tpu.memory_space<vmem>>) target(%dma_start3A_302 : memref<512x32xf32, #tpu.memory_space<hbm>>) target_semaphore(%arg16 : memref<!tpu.dma_semaphore, #tpu.memory_space<semaphore_mem>>)
    %dma_wait3A_303 = arith.constant 0 : i32
    %dma_wait3A_304 = tpu.memref_slice %arg4[%add3A_278, %dma_wait3A_303] : memref<327680x32xf32, #tpu.memory_space<hbm>> -> memref<512x32xf32, #tpu.memory_space<hbm>>
    %dma_wait3A_305 = arith.constant 0 : i32
    %dma_wait3A_306 = tpu.memref_slice %arg4[%add3A_278, %dma_wait3A_305] : memref<327680x32xf32, #tpu.memory_space<hbm>> -> memref<512x32xf32, #tpu.memory_space<hbm>>
    tpu.wait_dma2 semaphore(%arg15 : memref<!tpu.dma_semaphore, #tpu.memory_space<semaphore_mem>>) src(%arg7 : memref<512x32xf32, #tpu.memory_space<vmem>>) dst(%dma_wait3A_306 : memref<512x32xf32, #tpu.memory_space<hbm>>)
    %dma_start3A_307 = arith.constant 8704 : i32
    %dma_start3A_308 = tpu.memref_slice %arg5[%dma_start3A_307] : memref<10240xi32, #tpu.memory_space<vmem>> -> memref<512xi32, #tpu.memory_space<vmem>>
    %dma_start3A_309 = arith.constant 0 : i32
    %dma_start3A_310 = arith.constant 0 : i32
    %dma_start3A_311 = tpu.memref_slice %arg3[%dma_start3A_309, %dma_start3A_310] : memref<1000000x32xf32, #tpu.memory_space<hbm>> -> memref<1000000x32xf32, #tpu.memory_space<hbm>>
    tpu.enqueue_indirect_dma source(%dma_start3A_311 : memref<1000000x32xf32, #tpu.memory_space<hbm>>) target(%arg7 : memref<512x32xf32, #tpu.memory_space<vmem>>) offsets(%dma_start3A_308 : memref<512xi32, #tpu.memory_space<vmem>>) semaphore(%arg11 : memref<!tpu.dma_semaphore, #tpu.memory_space<semaphore_mem>>)
    %dma_wait3A_312 = arith.constant 7680 : i32
    %dma_wait3A_313 = tpu.memref_slice %arg5[%dma_wait3A_312] : memref<10240xi32, #tpu.memory_space<vmem>> -> memref<512xi32, #tpu.memory_space<vmem>>
    %dma_wait3A_314 = arith.constant 0 : i32
    %dma_wait3A_315 = arith.constant 0 : i32
    %dma_wait3A_316 = tpu.memref_slice %arg3[%dma_wait3A_314, %dma_wait3A_315] : memref<1000000x32xf32, #tpu.memory_space<hbm>> -> memref<1000000x32xf32, #tpu.memory_space<hbm>>
    tpu.wait_indirect_dma semaphore(%arg13 : memref<!tpu.dma_semaphore, #tpu.memory_space<semaphore_mem>>) src(%dma_wait3A_316 : memref<1000000x32xf32, #tpu.memory_space<hbm>>) dst(%arg9 : memref<512x32xf32, #tpu.memory_space<vmem>>)
    %add3A_317 = arith.constant 7680 : i32
    %add3A_318 = arith.addi %mul3A_2, %add3A_317 : i32
    %dma_start3A_319 = arith.constant 0 : i32
    %dma_start3A_320 = tpu.memref_slice %arg4[%add3A_318, %dma_start3A_319] : memref<327680x32xf32, #tpu.memory_space<hbm>> -> memref<512x32xf32, #tpu.memory_space<hbm>>
    %dma_start3A_321 = arith.constant 0 : i32
    %dma_start3A_322 = tpu.memref_slice %arg4[%add3A_318, %dma_start3A_321] : memref<327680x32xf32, #tpu.memory_space<hbm>> -> memref<512x32xf32, #tpu.memory_space<hbm>>
    tpu.enqueue_dma source(%arg9 : memref<512x32xf32, #tpu.memory_space<vmem>>) target(%dma_start3A_322 : memref<512x32xf32, #tpu.memory_space<hbm>>) target_semaphore(%arg17 : memref<!tpu.dma_semaphore, #tpu.memory_space<semaphore_mem>>)
    %dma_wait3A_323 = arith.constant 0 : i32
    %dma_wait3A_324 = tpu.memref_slice %arg4[%add3A_298, %dma_wait3A_323] : memref<327680x32xf32, #tpu.memory_space<hbm>> -> memref<512x32xf32, #tpu.memory_space<hbm>>
    %dma_wait3A_325 = arith.constant 0 : i32
    %dma_wait3A_326 = tpu.memref_slice %arg4[%add3A_298, %dma_wait3A_325] : memref<327680x32xf32, #tpu.memory_space<hbm>> -> memref<512x32xf32, #tpu.memory_space<hbm>>
    tpu.wait_dma2 semaphore(%arg16 : memref<!tpu.dma_semaphore, #tpu.memory_space<semaphore_mem>>) src(%arg8 : memref<512x32xf32, #tpu.memory_space<vmem>>) dst(%dma_wait3A_326 : memref<512x32xf32, #tpu.memory_space<hbm>>)
    %dma_start3A_327 = arith.constant 9216 : i32
    %dma_start3A_328 = tpu.memref_slice %arg5[%dma_start3A_327] : memref<10240xi32, #tpu.memory_space<vmem>> -> memref<512xi32, #tpu.memory_space<vmem>>
    %dma_start3A_329 = arith.constant 0 : i32
    %dma_start3A_330 = arith.constant 0 : i32
    %dma_start3A_331 = tpu.memref_slice %arg3[%dma_start3A_329, %dma_start3A_330] : memref<1000000x32xf32, #tpu.memory_space<hbm>> -> memref<1000000x32xf32, #tpu.memory_space<hbm>>
    tpu.enqueue_indirect_dma source(%dma_start3A_331 : memref<1000000x32xf32, #tpu.memory_space<hbm>>) target(%arg8 : memref<512x32xf32, #tpu.memory_space<vmem>>) offsets(%dma_start3A_328 : memref<512xi32, #tpu.memory_space<vmem>>) semaphore(%arg12 : memref<!tpu.dma_semaphore, #tpu.memory_space<semaphore_mem>>)
    %dma_wait3A_332 = arith.constant 8192 : i32
    %dma_wait3A_333 = tpu.memref_slice %arg5[%dma_wait3A_332] : memref<10240xi32, #tpu.memory_space<vmem>> -> memref<512xi32, #tpu.memory_space<vmem>>
    %dma_wait3A_334 = arith.constant 0 : i32
    %dma_wait3A_335 = arith.constant 0 : i32
    %dma_wait3A_336 = tpu.memref_slice %arg3[%dma_wait3A_334, %dma_wait3A_335] : memref<1000000x32xf32, #tpu.memory_space<hbm>> -> memref<1000000x32xf32, #tpu.memory_space<hbm>>
    tpu.wait_indirect_dma semaphore(%arg10 : memref<!tpu.dma_semaphore, #tpu.memory_space<semaphore_mem>>) src(%dma_wait3A_336 : memref<1000000x32xf32, #tpu.memory_space<hbm>>) dst(%arg6 : memref<512x32xf32, #tpu.memory_space<vmem>>)
    %add3A_337 = arith.constant 8192 : i32
    %add3A_338 = arith.addi %mul3A_2, %add3A_337 : i32
    %dma_start3A_339 = arith.constant 0 : i32
    %dma_start3A_340 = tpu.memref_slice %arg4[%add3A_338, %dma_start3A_339] : memref<327680x32xf32, #tpu.memory_space<hbm>> -> memref<512x32xf32, #tpu.memory_space<hbm>>
    %dma_start3A_341 = arith.constant 0 : i32
    %dma_start3A_342 = tpu.memref_slice %arg4[%add3A_338, %dma_start3A_341] : memref<327680x32xf32, #tpu.memory_space<hbm>> -> memref<512x32xf32, #tpu.memory_space<hbm>>
    tpu.enqueue_dma source(%arg6 : memref<512x32xf32, #tpu.memory_space<vmem>>) target(%dma_start3A_342 : memref<512x32xf32, #tpu.memory_space<hbm>>) target_semaphore(%arg14 : memref<!tpu.dma_semaphore, #tpu.memory_space<semaphore_mem>>)
    %dma_wait3A_343 = arith.constant 0 : i32
    %dma_wait3A_344 = tpu.memref_slice %arg4[%add3A_318, %dma_wait3A_343] : memref<327680x32xf32, #tpu.memory_space<hbm>> -> memref<512x32xf32, #tpu.memory_space<hbm>>
    %dma_wait3A_345 = arith.constant 0 : i32
    %dma_wait3A_346 = tpu.memref_slice %arg4[%add3A_318, %dma_wait3A_345] : memref<327680x32xf32, #tpu.memory_space<hbm>> -> memref<512x32xf32, #tpu.memory_space<hbm>>
    tpu.wait_dma2 semaphore(%arg17 : memref<!tpu.dma_semaphore, #tpu.memory_space<semaphore_mem>>) src(%arg9 : memref<512x32xf32, #tpu.memory_space<vmem>>) dst(%dma_wait3A_346 : memref<512x32xf32, #tpu.memory_space<hbm>>)
    %dma_start3A_347 = arith.constant 9728 : i32
    %dma_start3A_348 = tpu.memref_slice %arg5[%dma_start3A_347] : memref<10240xi32, #tpu.memory_space<vmem>> -> memref<512xi32, #tpu.memory_space<vmem>>
    %dma_start3A_349 = arith.constant 0 : i32
    %dma_start3A_350 = arith.constant 0 : i32
    %dma_start3A_351 = tpu.memref_slice %arg3[%dma_start3A_349, %dma_start3A_350] : memref<1000000x32xf32, #tpu.memory_space<hbm>> -> memref<1000000x32xf32, #tpu.memory_space<hbm>>
    tpu.enqueue_indirect_dma source(%dma_start3A_351 : memref<1000000x32xf32, #tpu.memory_space<hbm>>) target(%arg9 : memref<512x32xf32, #tpu.memory_space<vmem>>) offsets(%dma_start3A_348 : memref<512xi32, #tpu.memory_space<vmem>>) semaphore(%arg13 : memref<!tpu.dma_semaphore, #tpu.memory_space<semaphore_mem>>)
    %dma_wait3A_352 = arith.constant 8704 : i32
    %dma_wait3A_353 = tpu.memref_slice %arg5[%dma_wait3A_352] : memref<10240xi32, #tpu.memory_space<vmem>> -> memref<512xi32, #tpu.memory_space<vmem>>
    %dma_wait3A_354 = arith.constant 0 : i32
    %dma_wait3A_355 = arith.constant 0 : i32
    %dma_wait3A_356 = tpu.memref_slice %arg3[%dma_wait3A_354, %dma_wait3A_355] : memref<1000000x32xf32, #tpu.memory_space<hbm>> -> memref<1000000x32xf32, #tpu.memory_space<hbm>>
    tpu.wait_indirect_dma semaphore(%arg11 : memref<!tpu.dma_semaphore, #tpu.memory_space<semaphore_mem>>) src(%dma_wait3A_356 : memref<1000000x32xf32, #tpu.memory_space<hbm>>) dst(%arg7 : memref<512x32xf32, #tpu.memory_space<vmem>>)
    %add3A_357 = arith.constant 8704 : i32
    %add3A_358 = arith.addi %mul3A_2, %add3A_357 : i32
    %dma_start3A_359 = arith.constant 0 : i32
    %dma_start3A_360 = tpu.memref_slice %arg4[%add3A_358, %dma_start3A_359] : memref<327680x32xf32, #tpu.memory_space<hbm>> -> memref<512x32xf32, #tpu.memory_space<hbm>>
    %dma_start3A_361 = arith.constant 0 : i32
    %dma_start3A_362 = tpu.memref_slice %arg4[%add3A_358, %dma_start3A_361] : memref<327680x32xf32, #tpu.memory_space<hbm>> -> memref<512x32xf32, #tpu.memory_space<hbm>>
    tpu.enqueue_dma source(%arg7 : memref<512x32xf32, #tpu.memory_space<vmem>>) target(%dma_start3A_362 : memref<512x32xf32, #tpu.memory_space<hbm>>) target_semaphore(%arg15 : memref<!tpu.dma_semaphore, #tpu.memory_space<semaphore_mem>>)
    %dma_wait3A_363 = arith.constant 9216 : i32
    %dma_wait3A_364 = tpu.memref_slice %arg5[%dma_wait3A_363] : memref<10240xi32, #tpu.memory_space<vmem>> -> memref<512xi32, #tpu.memory_space<vmem>>
    %dma_wait3A_365 = arith.constant 0 : i32
    %dma_wait3A_366 = arith.constant 0 : i32
    %dma_wait3A_367 = tpu.memref_slice %arg3[%dma_wait3A_365, %dma_wait3A_366] : memref<1000000x32xf32, #tpu.memory_space<hbm>> -> memref<1000000x32xf32, #tpu.memory_space<hbm>>
    tpu.wait_indirect_dma semaphore(%arg12 : memref<!tpu.dma_semaphore, #tpu.memory_space<semaphore_mem>>) src(%dma_wait3A_367 : memref<1000000x32xf32, #tpu.memory_space<hbm>>) dst(%arg8 : memref<512x32xf32, #tpu.memory_space<vmem>>)
    %add3A_368 = arith.constant 9216 : i32
    %add3A_369 = arith.addi %mul3A_2, %add3A_368 : i32
    %dma_start3A_370 = arith.constant 0 : i32
    %dma_start3A_371 = tpu.memref_slice %arg4[%add3A_369, %dma_start3A_370] : memref<327680x32xf32, #tpu.memory_space<hbm>> -> memref<512x32xf32, #tpu.memory_space<hbm>>
    %dma_start3A_372 = arith.constant 0 : i32
    %dma_start3A_373 = tpu.memref_slice %arg4[%add3A_369, %dma_start3A_372] : memref<327680x32xf32, #tpu.memory_space<hbm>> -> memref<512x32xf32, #tpu.memory_space<hbm>>
    tpu.enqueue_dma source(%arg8 : memref<512x32xf32, #tpu.memory_space<vmem>>) target(%dma_start3A_373 : memref<512x32xf32, #tpu.memory_space<hbm>>) target_semaphore(%arg16 : memref<!tpu.dma_semaphore, #tpu.memory_space<semaphore_mem>>)
    %dma_wait3A_374 = arith.constant 9728 : i32
    %dma_wait3A_375 = tpu.memref_slice %arg5[%dma_wait3A_374] : memref<10240xi32, #tpu.memory_space<vmem>> -> memref<512xi32, #tpu.memory_space<vmem>>
    %dma_wait3A_376 = arith.constant 0 : i32
    %dma_wait3A_377 = arith.constant 0 : i32
    %dma_wait3A_378 = tpu.memref_slice %arg3[%dma_wait3A_376, %dma_wait3A_377] : memref<1000000x32xf32, #tpu.memory_space<hbm>> -> memref<1000000x32xf32, #tpu.memory_space<hbm>>
    tpu.wait_indirect_dma semaphore(%arg13 : memref<!tpu.dma_semaphore, #tpu.memory_space<semaphore_mem>>) src(%dma_wait3A_378 : memref<1000000x32xf32, #tpu.memory_space<hbm>>) dst(%arg9 : memref<512x32xf32, #tpu.memory_space<vmem>>)
    %add3A_379 = arith.constant 9728 : i32
    %add3A_380 = arith.addi %mul3A_2, %add3A_379 : i32
    %dma_start3A_381 = arith.constant 0 : i32
    %dma_start3A_382 = tpu.memref_slice %arg4[%add3A_380, %dma_start3A_381] : memref<327680x32xf32, #tpu.memory_space<hbm>> -> memref<512x32xf32, #tpu.memory_space<hbm>>
    %dma_start3A_383 = arith.constant 0 : i32
    %dma_start3A_384 = tpu.memref_slice %arg4[%add3A_380, %dma_start3A_383] : memref<327680x32xf32, #tpu.memory_space<hbm>> -> memref<512x32xf32, #tpu.memory_space<hbm>>
    tpu.enqueue_dma source(%arg9 : memref<512x32xf32, #tpu.memory_space<vmem>>) target(%dma_start3A_384 : memref<512x32xf32, #tpu.memory_space<hbm>>) target_semaphore(%arg17 : memref<!tpu.dma_semaphore, #tpu.memory_space<semaphore_mem>>)
    %dma_wait3A_385 = arith.constant 0 : i32
    %dma_wait3A_386 = tpu.memref_slice %arg4[%add3A_380, %dma_wait3A_385] : memref<327680x32xf32, #tpu.memory_space<hbm>> -> memref<512x32xf32, #tpu.memory_space<hbm>>
    %dma_wait3A_387 = arith.constant 0 : i32
    %dma_wait3A_388 = tpu.memref_slice %arg4[%add3A_380, %dma_wait3A_387] : memref<327680x32xf32, #tpu.memory_space<hbm>> -> memref<512x32xf32, #tpu.memory_space<hbm>>
    tpu.wait_dma2 semaphore(%arg17 : memref<!tpu.dma_semaphore, #tpu.memory_space<semaphore_mem>>) src(%arg9 : memref<512x32xf32, #tpu.memory_space<vmem>>) dst(%dma_wait3A_388 : memref<512x32xf32, #tpu.memory_space<hbm>>)
    %dma_wait3A_389 = arith.constant 0 : i32
    %dma_wait3A_390 = tpu.memref_slice %arg4[%add3A_369, %dma_wait3A_389] : memref<327680x32xf32, #tpu.memory_space<hbm>> -> memref<512x32xf32, #tpu.memory_space<hbm>>
    %dma_wait3A_391 = arith.constant 0 : i32
    %dma_wait3A_392 = tpu.memref_slice %arg4[%add3A_369, %dma_wait3A_391] : memref<327680x32xf32, #tpu.memory_space<hbm>> -> memref<512x32xf32, #tpu.memory_space<hbm>>
    tpu.wait_dma2 semaphore(%arg16 : memref<!tpu.dma_semaphore, #tpu.memory_space<semaphore_mem>>) src(%arg8 : memref<512x32xf32, #tpu.memory_space<vmem>>) dst(%dma_wait3A_392 : memref<512x32xf32, #tpu.memory_space<hbm>>)
    %dma_wait3A_393 = arith.constant 0 : i32
    %dma_wait3A_394 = tpu.memref_slice %arg4[%add3A_358, %dma_wait3A_393] : memref<327680x32xf32, #tpu.memory_space<hbm>> -> memref<512x32xf32, #tpu.memory_space<hbm>>
    %dma_wait3A_395 = arith.constant 0 : i32
    %dma_wait3A_396 = tpu.memref_slice %arg4[%add3A_358, %dma_wait3A_395] : memref<327680x32xf32, #tpu.memory_space<hbm>> -> memref<512x32xf32, #tpu.memory_space<hbm>>
    tpu.wait_dma2 semaphore(%arg15 : memref<!tpu.dma_semaphore, #tpu.memory_space<semaphore_mem>>) src(%arg7 : memref<512x32xf32, #tpu.memory_space<vmem>>) dst(%dma_wait3A_396 : memref<512x32xf32, #tpu.memory_space<hbm>>)
    %dma_wait3A_397 = arith.constant 0 : i32
    %dma_wait3A_398 = tpu.memref_slice %arg4[%add3A_338, %dma_wait3A_397] : memref<327680x32xf32, #tpu.memory_space<hbm>> -> memref<512x32xf32, #tpu.memory_space<hbm>>
    %dma_wait3A_399 = arith.constant 0 : i32
    %dma_wait3A_400 = tpu.memref_slice %arg4[%add3A_338, %dma_wait3A_399] : memref<327680x32xf32, #tpu.memory_space<hbm>> -> memref<512x32xf32, #tpu.memory_space<hbm>>
    tpu.wait_dma2 semaphore(%arg14 : memref<!tpu.dma_semaphore, #tpu.memory_space<semaphore_mem>>) src(%arg6 : memref<512x32xf32, #tpu.memory_space<vmem>>) dst(%dma_wait3A_400 : memref<512x32xf32, #tpu.memory_space<hbm>>)
    return
  }
}

module attributes {stable_mosaic.version = 14 : i64} {
  func.func @_retile_body(%arg0: i32, %arg1: memref<2560x128xf32, #tpu.memory_space<vmem>>, %arg2: memref<512x640xf32, #tpu.memory_space<vmem>>) attributes {dimension_semantics = [#tpu.dimension_semantics<arbitrary>], iteration_bounds = array<i64: 32>, scalar_prefetch = 0 : i64, scratch_operands = 0 : i64, tpu.core_type = #tpu.core_type<tc>, window_params = [{transform_indices = @transform_0, window_bounds = array<i64: 2560, 128>}, {transform_indices = @transform_1, window_bounds = array<i64: 512, 640>}]} {
    %get3A = arith.constant 0 : index
    %get3A_0 = arith.constant 0 : index
    %get3A_1 = vector.load %arg1[%get3A, %get3A_0] : memref<2560x128xf32, #tpu.memory_space<vmem>>, vector<2560x128xf32>
    %reshape3A = vector.shape_cast %get3A_1 : vector<2560x128xf32> to vector<512x640xf32>
    %swap3A = arith.constant 0 : index
    %swap3A_2 = arith.constant 0 : index
    %swap3A_3 = vector.load %arg2[%swap3A, %swap3A_2] : memref<512x640xf32, #tpu.memory_space<vmem>>, vector<512x640xf32>
    tpu.vector_store %arg2[%swap3A, %swap3A_2], %reshape3A {strides = array<i32>} : memref<512x640xf32, #tpu.memory_space<vmem>>, vector<512x640xf32>,
    return
  }
  func.func @transform_0(%arg0: i32) -> (i32, i32) {
    %c0_i32 = arith.constant 0 : i32
    %c0_i32_0 = arith.constant 0 : i32
    return %arg0, %c0_i32 : i32, i32
  }
  func.func @transform_1(%arg0: i32) -> (i32, i32) {
    %c0_i32 = arith.constant 0 : i32
    %c0_i32_0 = arith.constant 0 : i32
    return %arg0, %c0_i32 : i32, i32
  }
}

</mosaic_0001>

<sc_bundles>
// kernel: kernel.4.cloned.1.call-start
scs
__scs_entry_jumppad:
0x0: {  	(pc) =	sbr.rel $0x88, $3  }
0x1: {  	(tag) =	ssettag $0x0;
	lr =	simm.s32 $0x1  }
0x2: {  	[smem:$0x3F9F] =	sst lr;
	_ =	strace $0xD0000000  }
0x3: {  	_ = 	snop  }
0x4: {  	_ = 	snop  }
0x5: {  	_ = 	snop  }
0x6: {  	_ = 	snop  }
0x7: {  	_ = 	snop  }
__scs_overlays_trampoline_lowered:
0x8: {  	[smem:$0x3FAE] =	sst s0  }
0x9: {  	[smem:$0x3FAF] =	sst s1  }
0xa: {  	[smem:$0x3FB0] =	sst s2  }
0xb: {  	[smem:$0x3FB1] =	sst s3  }
0xc: {  	[smem:$0x3FB2] =	sst s4  }
0xd: {  	[smem:$0x3FB3] =	sst s5  }
0xe: {  	[smem:$0x3FB4] =	sst s6  }
0xf: {  	[smem:$0x3FB5] =	sst s7  }
0x10: {  	[smem:$0x3FB6] =	sst s8  }
0x11: {  	[smem:$0x3FB7] =	sst s9;
	s0 =	simm.s32 @!p0 $0x0  }
0x12: {  	s1 =	sld [smem:$0x3F9D];
	s0 =	simm.s32 @p0 $0x1  }
0x13: {  	[smem:$0x3FB8] =	sst s0;
	s0 =	simm.s32 @!p1 $0x0  }
0x14: {  	s2 =	sld [smem:$0x3F9C];
	s0 =	simm.s32 @p1 $0x1  }
0x15: {  	[smem:$0x3FB9] =	sst s0;
	s0 =	simm.s32 @!p2 $0x0  }
0x16: {  	s3 =	sld [smem:$0x3FDB];
	s0 =	simm.s32 @p2 $0x1  }
0x17: {  	s4 =	simm.s32 $0x1BF5;
	[smem:$0x3FBB] =	sst s0  }
0x18: {  	s0 =	sld [smem:$0x3F9E];
	_ =	swait.ge [sflag:s4], $0x0  }
0x19: {  	s7 =	sld [smem:$0x3F9F]  }
0x1a: {  	s8 =	sadd.s32 $0xFFFFE003, lr  }
0x1b: {  	s9 =	sadd.s32 $0xFFFFFEF7, lr;
	s5 =	simm.s32 $0xFFFFFFFF;
	p2 =	slt.u32 s8, $0xFFFFF086  }
0x1c: {  	p1 =	slt.u32 s9, $0xF7A;
	s5 =	simm.s32 @!p2 $0x0  }
0x1d: {  	s5 =	simm.s32 @p1 $0x1;
	p0 =	seq.s32 s7, s2  }
0x1e: {  	s7 =	smul.u32 @!p0 $0xF7A, s2;
	p2 =	seq.s32 @!p0 s5, $0x0  }
0x1f: {  	s9 =	smul.u32 $0xF7A, s1;
	s8 =	simm.s32 @!p0 $0x1BF5;
	p2 =	por !p2, p0  }
0x20: {  	[sflag:s8] =	ssyncset.s32 @!p0 $0xFFFFF086;
	s6 =	sadd.s32 @!p0 s3, s7;
	s7 =	simm.s32 @!p0 $0x108  }
0x21: {  	s3 =	sadd.s32 s3, s9;
	s6 =	sadd.s32 @!p0 $0x88, s6;
	s7 =	simm.s32 @p2 $0x1082  }
0x22: {  	[simem:s7], [sflag:s8] =	dma.local @!p0 [hbm:s6], $0xF7A  }
0x23: {  	s9 =	sor.u32 $0xD0000000, s2;
	s6 =	simm.s32 $0x108;
	_ =	swait.ge @!p0 [sflag:s8], $0x0  }
0x24: {  	s3 =	sadd.s32 $0x88, s3;
	s6 =	simm.s32 @!p1 $0x1082;
	[sflag:s4] =	ssyncset.s32 $0xFFFFF086  }
0x25: {  	[simem:s6], [sflag:s4] =	dma.local [hbm:s3], $0xF7A  }
0x26: {  	[smem:$0x3F9F] =	sst s1;
	(tag) =	ssettag s2;
	_ =	strace s9  }
0x27: {  	s1 =	sld [smem:$0x3FAF]  }
0x28: {  	s2 =	sld [smem:$0x3FB0]  }
0x29: {  	s4 =	sld [smem:$0x3FB2]  }
0x2a: {  	p0 =	seq.s32 s5, $0x0;
	s5 =	sld [smem:$0x3FB3]  }
0x2b: {  	s6 =	sld [smem:$0x3FB4]  }
0x2c: {  	s7 =	sld [smem:$0x3FB5]  }
0x2d: {  	s3 =	simm.s32 $0x108;
	s8 =	sld [smem:$0x3FB6]  }
0x2e: {  	s3 =	simm.s32 @!p0 $0x1082;
	s9 =	sld [smem:$0x3FB7]  }
0x2f: {  	lr =	sadd.s32 s0, s3;
	s0 =	sld [smem:$0x3FAE]  }
0x30: {  	s3 =	sld [smem:$0x3FB1]  }
0x31: {  	[smem:$0x3FBA] =	sst s10  }
0x32: {  	s10 =	sld [smem:$0x3FB8];
	_ =	sdelay $0x3  }
0x33: {  	p0 =	seq.s32 s10, $0x1;
	s10 =	sld [smem:$0x3FBA];
	_ =	sdelay $0x3  }
0x34: {  	[smem:$0x3FBA] =	sst s10  }
0x35: {  	s10 =	sld [smem:$0x3FB9];
	_ =	sdelay $0x3  }
0x36: {  	p1 =	seq.s32 s10, $0x1;
	s10 =	sld [smem:$0x3FBA];
	_ =	sdelay $0x3  }
0x37: {  	[smem:$0x3FBA] =	sst s10  }
0x38: {  	s10 =	sld [smem:$0x3FBB]  }
0x39: {  	_ = 	snop;
	(pc) =	sbr.ind lr, $3  }
0x3a: {  	_ = 	snop  }
0x3b: {  	_ = 	snop  }
0x3c: {  	p2 =	seq.s32 s10, $0x1;
	s10 =	sld [smem:$0x3FBA]  }
0x3d: {  	_ =	shalt  }
0x3e: {  	_ =	shalt  }
0x3f: {  	_ =	shalt  }
0x40: {  	_ =	shalt  }
0x41: {  	_ =	shalt  }
0x42: {  	_ =	shalt  }
0x43: {  	_ =	shalt  }
0x44: {  	_ =	shalt  }
0x45: {  	_ =	shalt  }
0x46: {  	_ =	shalt  }
0x47: {  	_ =	shalt  }
0x48: {  	_ =	shalt  }
0x49: {  	_ =	shalt  }
0x4a: {  	_ =	shalt  }
0x4b: {  	_ =	shalt  }
0x4c: {  	_ =	shalt  }
0x4d: {  	_ =	shalt  }
0x4e: {  	_ =	shalt  }
0x4f: {  	_ =	shalt  }
0x50: {  	_ =	shalt  }
0x51: {  	_ =	shalt  }
0x52: {  	_ =	shalt  }
0x53: {  	_ =	shalt  }
0x54: {  	_ =	shalt  }
0x55: {  	_ =	shalt  }
0x56: {  	_ =	shalt  }
0x57: {  	_ =	shalt  }
0x58: {  	_ =	shalt  }
0x59: {  	_ =	shalt  }
0x5a: {  	_ =	shalt  }
0x5b: {  	_ =	shalt  }
0x5c: {  	_ =	shalt  }
0x5d: {  	_ =	shalt  }
0x5e: {  	_ =	shalt  }
0x5f: {  	_ =	shalt  }
0x60: {  	_ =	shalt  }
0x61: {  	_ =	shalt  }
0x62: {  	_ =	shalt  }
0x63: {  	_ =	shalt  }
0x64: {  	_ =	shalt  }
0x65: {  	_ =	shalt  }
0x66: {  	_ =	shalt  }
0x67: {  	_ =	shalt  }
0x68: {  	_ =	shalt  }
0x69: {  	_ =	shalt  }
0x6a: {  	_ =	shalt  }
0x6b: {  	_ =	shalt  }
0x6c: {  	_ =	shalt  }
0x6d: {  	_ =	shalt  }
0x6e: {  	_ =	shalt  }
0x6f: {  	_ =	shalt  }
0x70: {  	_ =	shalt  }
0x71: {  	_ =	shalt  }
0x72: {  	_ =	shalt  }
0x73: {  	_ =	shalt  }
0x74: {  	_ =	shalt  }
0x75: {  	_ =	shalt  }
0x76: {  	_ =	shalt  }
0x77: {  	_ =	shalt  }
0x78: {  	_ =	shalt  }
0x79: {  	_ =	shalt  }
0x7a: {  	_ =	shalt  }
0x7b: {  	_ =	shalt  }
0x7c: {  	_ =	shalt  }
0x7d: {  	_ =	shalt  }
0x7e: {  	_ =	shalt  }
0x7f: {  	_ =	shalt  }
0x80: {  	_ =	shalt  }
0x81: {  	_ =	shalt  }
0x82: {  	_ =	shalt  }
0x83: {  	_ =	shalt  }
0x84: {  	_ =	shalt  }
0x85: {  	_ =	shalt  }
0x86: {  	_ =	shalt  }
0x87: {  	_ =	shalt  }
.Lfunc_end0:
.L_simem_size_0:
called_computation_lowered:
.L_overlay_start_0:
0x88: {  	s2 =	sld [smem:$0x3FD9]  }
0x89: {  	s3 =	sld [smem:$0x3FFE];
	_ =	sdelay $0x1  }
0x8a: {  	s1 =	srdreg.scid  }
0x8b: {  	s0 =	sand.u32 $0x1, s1  }
0x8c: {  	s17 =	sshll.u32 s0, $0xA;
	s2 =	sadd.s32 s3, s2  }
0x8d: {  	s2 =	sadd.s32 s2, s17  }
0x8e: {  	[smem:$0x3FC6] =	sst s2  }
0x8f: {  	_ = 	snop  }
0x90: {  	s2 =	sld [smem:$0x3FD0];
	(tm) =	ssettm $0x1  }
0x91: {  	s18 =	sld [smem:$0x3FFB];
	_ =	sdelay $0x3  }
0x92: {  	_ =	strace s18  }
0x93: {  	s3 =	sld [smem:$0x3FFC];
	_ =	sdelay $0x3  }
0x94: {  	_ =	strace s3  }
0x95: {  	s3 =	sld [smem:$0x3FFD];
	_ =	sdelay $0x3  }
0x96: {  	_ =	strace s3  }
0x97: {  	_ =	strace $0x8FFFFFFF  }
0x98: {  	s19 =	sld [smem:$0x3FDB];
	_ =	sdelay $0x1  }
0x99: {  	s4 =	simm.s32 $_scs_section_size  }
0x9a: {  	s5 =	simm.s32 $_size__tile_overlayer_lowered;
	s6 =	simm.s32 $_tile_overlayer_lowered  }
0x9b: {  	s22 =	simm.s32 $0x1BFF;
	s21 =	sshll.u32 s6, $0x1;
	s3 =	sadd.s32 s4, s19  }
0x9c: {  	s7 =	simm.s32 $0x0;
	s20 =	sshll.u32 s5, $0x1;
	s5 =	sadd.s32 s21, s3  }
0x9d: {  	[timem:s7], [sflag:s22] =	dma.local [hbm:s5], s20  }
0x9e: {  	_ =	swait.ge [sflag:s22], s20  }
0x9f: {  	s4 =	ssub.s32 $0x0, s20;
	[sflag:s22] =	ssyncset.done $0x0  }
0xa0: {  	[sflag:s22] =	ssyncadd.s32 s4;
	_ =	sdelay $0x1  }
0xa1: {  	s23 =	simm.s32 $0x1B8B  }
0xa2: {  	_ =	swait.ge [sflag:s23], $0x1  }
0xa3: {  	[sflag:s23] =	ssyncset.done $0x0  }
0xa4: {  	s25 =	simm.s32 $0x1B8E;
	s24 =	sld [smem:$0x3FFE];
	[sflag:s23] =	ssyncadd.s32 $0xFFFFFFFF  }
0xa5: {  	s26 =	simm.s32 $execute0_lowered;
	[smem:$0x3FD2] =	sst s25  }
0xa6: {  	s5 =	sshll.u32 s26, $0x1;
	_ =	strace $0x80000046;
	[dreg:$0x1] =	wrdreg $0xFFFFFFFF  }
0xa7: {  	s28 =	simm.s32 $_size_execute0_lowered;
	s3 =	sadd.s32 s3, s5;
	[dreg:$0x0] =	wrdreg $0x0  }
0xa8: {  	s5 =	sshll.u32 s28, $0x1;
	[dreg:$0x2] =	wrdreg s3  }
0xa9: {  	[dreg:$0x3] =	wrdreg s5  }
0xaa: {  	[dreg:$0x4] =	wrdreg $0xC0  }
0xab: {  	_ =	task [dreg:s7], $0x5FFFF  }
0xac: {  	[dreg:$0x1] =	wrdreg $0xFFFFFFFF  }
0xad: {  	[dreg:$0x0] =	wrdreg $0x60  }
0xae: {  	[dreg:$0x2] =	wrdreg s2  }
0xaf: {  	[dreg:$0x3] =	wrdreg s24  }
0xb0: {  	[dreg:$0x4] =	wrdreg $0x9  }
0xb1: {  	_ =	task.clear_ibuf [dreg:s7], $0x5FFFF;
	_ =	strace $0x90000046  }
0xb2: {  	s29 =	simm.s32 $0x9;
	_ =	strace $0x80000048  }
0xb3: {  	_ =	swait.ge [sflag:s29], $0x1  }
0xb4: {  	[sflag:s29] =	ssyncadd.s32 $0xFFFFFFFF  }
0xb5: {  	_ =	strace $0x90000048  }
0xb6: {  	_ =	sfence  }
0xb7: {  	s30 =	sld [smem:$0x0];
	_ =	sdelay $0x2  }
0xb8: {  	s31 =	sshll.u32 s1, $0xD;
	s1 =	sshrl.u32 s1, $0x2  }
0xb9: {  	s3 =	sand.u32 $0x4000, s31;
	s1 =	sadd.s32 s1, s30  }
0xba: {  	s0 =	sor.u32 s3, s0;
	s1 =	sshll.u32 s1, $0x11  }
0xbb: {  	s0 =	sor.u32 s1, s0  }
0xbc: {  	s0 =	sadd.s32 $0x8F2B, s0  }
0xbd: {  	[sflag:s0] =	ssyncadd.remote.s32 $0x1  }
0xbe: {  	_ =	sfence.sel $0xFFFF  }
0xbf: {  	[dreg:$0x0] =	wrdreg $0xFFFFFFFF;
	(pc) =	sbr.abs _section_cstart, $3  }
0xc0: {  	[dreg:$0x1] =	wrdreg $0xFFFFFFFF  }
0xc1: {  	_ =	task.clear_ibuf [dreg:s7], $0x2FFFF;
	_ =	strace $0x9FFFFFFF  }
0xc2: {  	(tm) =	ssettm $0x7FFFFFFF  }
0xc3: {  	_ =	shalt  }
tec
execute0_lowered:
.L_overlay_start_1:
0x0: {  	(tag) =	ssettag $0x1  }
0x1: {  	s0 =	srdreg.scid;
	s2 =	stileid.u32  }
0x2: {  	s1 =	rddreg [dreg:$0x0];
	s0 =	sand.u32 $0x1, s0;
	s2 =	sshll.u32 s2, $0x1  }
0x3: {  	s3 =	rddreg [dreg:$0x1];
	s20 =	simm.s32 $0x400;
	s4 =	sor.u32 s0, s2  }
0x4: {  	s7 =	sadd.s32 $0x600, s3;
	s2 =	simm.s32 $0x0;
	s5 =	smul.u32 $0x500, s4  }
0x5: {  	s0 =	ssub.s32 $0x2, s0;
	[smem:$0x7FF] =	sst s2;
	s6 =	smul.u32 $0xA000, s4  }
0x6: {  	s4 =	smul.u32 $0x50000, s4;
	s17 =	sshrl.u32 s0, $0x1;
	_ =	strace $0x80000047  }
0x7: {  	[dreg:$0x17] =	wrdreg s20;
	s1 =	sadd.s32 s1, s5;
	s25 =	sadd.s32 s7, s6  }
0x8: {  	s0 =	ssub.s32 s0, s17;
	[dreg:$0x3] =	wrdreg s1;
	s21 =	sadd.s32 $0x800, s25  }
0x9: {  	s4 =	sshrl.u32 s4, $0x3;
	s22 =	sadd.s32 $0x1000, s25;
	[dreg:$0x4] =	wrdreg s21  }
0xa: {  	s0 =	smax.u32 s0, $0x1;
	s23 =	sadd.s32 $0x1800, s25;
	[dreg:$0x5] =	wrdreg s22  }
0xb: {  	s4 =	sadd.s32 s7, s4;
	p1 =	sne.s32 s0, $0x1;
	[dreg:$0x6] =	wrdreg s23  }
0xc: {  	s1 =	sadd.s32 $0xFFFFFFFF, s0;
	s24 =	sadd.s32 $0x2000, s4;
	s0 =	rddreg [dreg:$0x3]  }
0xd: {  	s26 =	sadd.s32 $0x2800, s4;
	[dreg:$0x7] =	wrdreg s24  }
0xe: {  	s5 =	sadd.s32 $0x3000, s4;
	[dreg:$0x8] =	wrdreg s26  }
0xf: {  	s6 =	sadd.s32 $0x3800, s4;
	[dreg:$0x9] =	wrdreg s5  }
0x10: {  	s7 =	sadd.s32 $0x4000, s4;
	[dreg:$0xa] =	wrdreg s6  }
0x11: {  	s8 =	sadd.s32 $0x4800, s4;
	[dreg:$0xb] =	wrdreg s7  }
0x12: {  	s31 =	simm.s32 $0x9;
	s9 =	sadd.s32 $0x5000, s4;
	[dreg:$0xc] =	wrdreg s8  }
0x13: {  	s30 =	simm.s32 $0x1000;
	s10 =	sadd.s32 $0x5800, s4;
	[dreg:$0xd] =	wrdreg s9  }
0x14: {  	s29 =	simm.s32 $0x1200;
	s11 =	sadd.s32 $0x6000, s4;
	[dreg:$0xe] =	wrdreg s10  }
0x15: {  	s28 =	simm.s32 $0x1400;
	s12 =	sadd.s32 $0x6800, s4;
	[dreg:$0xf] =	wrdreg s11  }
0x16: {  	p0 =	por $0x0, $0x0;
	s13 =	sadd.s32 $0x7000, s4;
	[dreg:$0x10] =	wrdreg s12  }
0x17: {  	s20 =	simm.s32 $0x2000;
	s14 =	sadd.s32 $0x7800, s4;
	[dreg:$0x11] =	wrdreg s13  }
0x18: {  	s17 =	simm.s32 $0x2600;
	s15 =	sadd.s32 $0x8000, s4;
	[dreg:$0x12] =	wrdreg s14  }
0x19: {  	s16 =	sadd.s32 $0x8800, s4;
	s18 =	sadd.s32 $0x9000, s4;
	[dreg:$0x13] =	wrdreg s15  }
0x1a: {  	s19 =	sadd.s32 $0x9800, s4;
	s21 =	simm.s32 $0x600;
	[dreg:$0x14] =	wrdreg s16  }
0x1b: {  	s22 =	simm.s32 $0x800;
	s4 =	simm.s32 $0x6;
	[dreg:$0x15] =	wrdreg s18  }
0x1c: {  	s23 =	simm.s32 $0xA00;
	s7 =	sadd.s32 $0xF42A00, s3;
	[dreg:$0x16] =	wrdreg s19  }
0x1d: {  	s10 =	simm.s32 $0x200;
	s14 =	simm.s32 $0x2800;
	s8 =	simm.s32 $0x6800  }
0x1e: {  	s6 =	simm.s32 $0xA800;
	s16 =	simm.s32 $0x1;
	[dreg:$0x18] =	wrdreg s21  }
0x1f: {  	s5 =	simm.s32 $0xE800;
	s15 =	simm.s32 $0x2;
	[dreg:$0x19] =	wrdreg s22  }
0x20: {  	s3 =	simm.s32 $0x5;
	s12 =	simm.s32 $0x3;
	[dreg:$0x1a] =	wrdreg s23  }
.Ltmp0:
0x21: {  	s11 =	simm.s32 $0x4;
	s24 =	simm.s32 $0xC00;
	(pc) =	sbr.rel @!p1 .LBB2_3-.Ltmp0, $4  }
0x22: {  	s9 =	simm.s32 $0x7;
	s26 =	simm.s32 $0xE00;
	s13 =	simm.s32 $0x8  }
0x23: {  	s23 =	simm.s32 $0x1A00;
	s22 =	simm.s32 $0x1C00;
	s21 =	simm.s32 $0x1E00  }
0x24: {  	s19 =	simm.s32 $0x2200;
	s18 =	simm.s32 $0x2400;
	[dreg:$0x1b] =	wrdreg s24  }
0x25: {  	[dreg:$0x1c] =	wrdreg s26;
	s26 =	simm.s32 $0x1600;
	s24 =	simm.s32 $0x1800  }
0x26: {  	[tilespmem:s2], [sflag:$0x9] =	stream.linear.gather [hbm4b:s0+s2], $0x2800, $0x38;
	[tilespmem:$0x12800] =	vst v63  }
0x27: {  	_ =	swait.ge [sflag:s31], $0x2800  }
0x28: {  	[sflag:s31] =	ssyncset.done $0x0  }
0x29: {  	[sflag:s31] =	ssyncadd.s32 $0xFFFFD800  }
0x2a: {  	[tilespmem:s14], [sflag:$0x1] =	stream.indirect.gather [hbm4b:s7+s10], $0x20, s2, s10, $0xb8;
	[tilespmem:$0x12800] =	vst v63  }
0x2b: {  	_ = 	snop  }
0x2c: {  	[tilespmem:s8], [sflag:$0x2] =	stream.indirect.gather [hbm4b:s7+s10], $0x20, s10, s10, $0xb8;
	[tilespmem:$0x12800] =	vst v63  }
0x2d: {  	s0 =	rddreg [dreg:$0x17]  }
0x2e: {  	[tilespmem:s6], [sflag:$0x3] =	stream.indirect.gather [hbm4b:s7+s10], $0x20, s0, s10, $0xb8;
	[tilespmem:$0x12800] =	vst v63  }
0x2f: {  	_ =	swait.ge [sflag:s16], $0x4000  }
0x30: {  	[sflag:s16] =	ssyncset.done $0x0  }
0x31: {  	[sflag:s16] =	ssyncadd.s32 $0xFFFFC000  }
0x32: {  	[hbm4b:s25+s2] =	stream.linear.scatter [tilespmem:s14], [sflag:$0x5], $0x4000, $0x38;
	[tilespmem:$0x12800] =	vst v63  }
0x33: {  	s0 =	rddreg [dreg:$0x18]  }
0x34: {  	[tilespmem:s5], [sflag:$0x4] =	stream.indirect.gather [hbm4b:s7+s10], $0x20, s0, s10, $0xb8;
	[tilespmem:$0x12800] =	vst v63  }
0x35: {  	_ =	swait.ge [sflag:s15], $0x4000  }
0x36: {  	[sflag:s15] =	ssyncset.done $0x0  }
0x37: {  	s0 =	rddreg [dreg:$0x4];
	[sflag:s15] =	ssyncadd.s32 $0xFFFFC000  }
0x38: {  	[hbm4b:s0+s2] =	stream.linear.scatter [tilespmem:s8], [sflag:$0x6], $0x4000, $0x38;
	[tilespmem:$0x12800] =	vst v63  }
0x39: {  	_ =	swait.ge [sflag:s3], $0x4000  }
0x3a: {  	[sflag:s3] =	ssyncset.done $0x0  }
0x3b: {  	s0 =	rddreg [dreg:$0x19];
	[sflag:s3] =	ssyncadd.s32 $0xFFFFC000  }
0x3c: {  	[tilespmem:s14], [sflag:$0x1] =	stream.indirect.gather [hbm4b:s7+s10], $0x20, s0, s10, $0xb8;
	[tilespmem:$0x12800] =	vst v63  }
0x3d: {  	_ =	swait.ge [sflag:s12], $0x4000  }
0x3e: {  	[sflag:s12] =	ssyncset.done $0x0  }
0x3f: {  	s0 =	rddreg [dreg:$0x5];
	[sflag:s12] =	ssyncadd.s32 $0xFFFFC000  }
0x40: {  	[hbm4b:s0+s2] =	stream.linear.scatter [tilespmem:s6], [sflag:$0x7], $0x4000, $0x38;
	[tilespmem:$0x12800] =	vst v63  }
0x41: {  	_ =	swait.ge [sflag:s4], $0x4000  }
0x42: {  	[sflag:s4] =	ssyncset.done $0x0  }
0x43: {  	s0 =	rddreg [dreg:$0x1a];
	[sflag:s4] =	ssyncadd.s32 $0xFFFFC000  }
0x44: {  	[tilespmem:s8], [sflag:$0x2] =	stream.indirect.gather [hbm4b:s7+s10], $0x20, s0, s10, $0xb8;
	[tilespmem:$0x12800] =	vst v63  }
0x45: {  	_ =	swait.ge [sflag:s11], $0x4000  }
0x46: {  	[sflag:s11] =	ssyncset.done $0x0  }
0x47: {  	s0 =	rddreg [dreg:$0x6];
	[sflag:s11] =	ssyncadd.s32 $0xFFFFC000  }
0x48: {  	[hbm4b:s0+s2] =	stream.linear.scatter [tilespmem:s5], [sflag:$0x8], $0x4000, $0x38;
	[tilespmem:$0x12800] =	vst v63  }
0x49: {  	_ =	swait.ge [sflag:s9], $0x4000  }
0x4a: {  	[sflag:s9] =	ssyncset.done $0x0  }
0x4b: {  	s0 =	rddreg [dreg:$0x1b];
	[sflag:s9] =	ssyncadd.s32 $0xFFFFC000  }
0x4c: {  	[tilespmem:s6], [sflag:$0x3] =	stream.indirect.gather [hbm4b:s7+s10], $0x20, s0, s10, $0xb8;
	[tilespmem:$0x12800] =	vst v63  }
0x4d: {  	_ =	swait.ge [sflag:s16], $0x4000  }
0x4e: {  	[sflag:s16] =	ssyncset.done $0x0  }
0x4f: {  	s0 =	rddreg [dreg:$0x7];
	[sflag:s16] =	ssyncadd.s32 $0xFFFFC000  }
0x50: {  	[hbm4b:s0+s2] =	stream.linear.scatter [tilespmem:s14], [sflag:$0x5], $0x4000, $0x38;
	[tilespmem:$0x12800] =	vst v63  }
0x51: {  	_ =	swait.ge [sflag:s13], $0x4000  }
0x52: {  	[sflag:s13] =	ssyncset.done $0x0  }
0x53: {  	s0 =	rddreg [dreg:$0x1c];
	[sflag:s13] =	ssyncadd.s32 $0xFFFFC000  }
0x54: {  	[tilespmem:s5], [sflag:$0x4] =	stream.indirect.gather [hbm4b:s7+s10], $0x20, s0, s10, $0xb8;
	[tilespmem:$0x12800] =	vst v63  }
0x55: {  	_ =	swait.ge [sflag:s15], $0x4000  }
0x56: {  	[sflag:s15] =	ssyncset.done $0x0  }
0x57: {  	s0 =	rddreg [dreg:$0x8];
	[sflag:s15] =	ssyncadd.s32 $0xFFFFC000  }
0x58: {  	[hbm4b:s0+s2] =	stream.linear.scatter [tilespmem:s8], [sflag:$0x6], $0x4000, $0x38;
	[tilespmem:$0x12800] =	vst v63  }
0x59: {  	_ =	swait.ge [sflag:s3], $0x4000  }
0x5a: {  	[sflag:s3] =	ssyncset.done $0x0  }
0x5b: {  	[sflag:s3] =	ssyncadd.s32 $0xFFFFC000  }
0x5c: {  	[tilespmem:s14], [sflag:$0x1] =	stream.indirect.gather [hbm4b:s7+s10], $0x20, s30, s10, $0xb8;
	[tilespmem:$0x12800] =	vst v63  }
0x5d: {  	_ =	swait.ge [sflag:s12], $0x4000  }
0x5e: {  	[sflag:s12] =	ssyncset.done $0x0  }
0x5f: {  	s0 =	rddreg [dreg:$0x9];
	[sflag:s12] =	ssyncadd.s32 $0xFFFFC000  }
0x60: {  	[hbm4b:s0+s2] =	stream.linear.scatter [tilespmem:s6], [sflag:$0x7], $0x4000, $0x38;
	[tilespmem:$0x12800] =	vst v63  }
0x61: {  	_ =	swait.ge [sflag:s4], $0x4000  }
0x62: {  	[sflag:s4] =	ssyncset.done $0x0  }
0x63: {  	[sflag:s4] =	ssyncadd.s32 $0xFFFFC000  }
0x64: {  	[tilespmem:s8], [sflag:$0x2] =	stream.indirect.gather [hbm4b:s7+s10], $0x20, s29, s10, $0xb8;
	[tilespmem:$0x12800] =	vst v63  }
0x65: {  	_ =	swait.ge [sflag:s11], $0x4000  }
0x66: {  	[sflag:s11] =	ssyncset.done $0x0  }
0x67: {  	s0 =	rddreg [dreg:$0xa];
	[sflag:s11] =	ssyncadd.s32 $0xFFFFC000  }
0x68: {  	[hbm4b:s0+s2] =	stream.linear.scatter [tilespmem:s5], [sflag:$0x8], $0x4000, $0x38;
	[tilespmem:$0x12800] =	vst v63  }
0x69: {  	_ =	swait.ge [sflag:s9], $0x4000  }
0x6a: {  	[sflag:s9] =	ssyncset.done $0x0  }
0x6b: {  	[sflag:s9] =	ssyncadd.s32 $0xFFFFC000  }
0x6c: {  	[tilespmem:s6], [sflag:$0x3] =	stream.indirect.gather [hbm4b:s7+s10], $0x20, s28, s10, $0xb8;
	[tilespmem:$0x12800] =	vst v63  }
0x6d: {  	_ =	swait.ge [sflag:s16], $0x4000  }
0x6e: {  	[sflag:s16] =	ssyncset.done $0x0  }
0x6f: {  	s0 =	rddreg [dreg:$0xb];
	[sflag:s16] =	ssyncadd.s32 $0xFFFFC000  }
0x70: {  	[hbm4b:s0+s2] =	stream.linear.scatter [tilespmem:s14], [sflag:$0x5], $0x4000, $0x38;
	[tilespmem:$0x12800] =	vst v63  }
0x71: {  	_ =	swait.ge [sflag:s13], $0x4000  }
0x72: {  	[sflag:s13] =	ssyncset.done $0x0  }
0x73: {  	[sflag:s13] =	ssyncadd.s32 $0xFFFFC000  }
0x74: {  	[tilespmem:s5], [sflag:$0x4] =	stream.indirect.gather [hbm4b:s7+s10], $0x20, s26, s10, $0xb8;
	[tilespmem:$0x12800] =	vst v63  }
0x75: {  	_ =	swait.ge [sflag:s15], $0x4000  }
0x76: {  	[sflag:s15] =	ssyncset.done $0x0  }
0x77: {  	s0 =	rddreg [dreg:$0xc];
	[sflag:s15] =	ssyncadd.s32 $0xFFFFC000  }
0x78: {  	[hbm4b:s0+s2] =	stream.linear.scatter [tilespmem:s8], [sflag:$0x6], $0x4000, $0x38;
	[tilespmem:$0x12800] =	vst v63  }
0x79: {  	_ =	swait.ge [sflag:s3], $0x4000  }
0x7a: {  	[sflag:s3] =	ssyncset.done $0x0  }
0x7b: {  	[sflag:s3] =	ssyncadd.s32 $0xFFFFC000  }
0x7c: {  	[tilespmem:s14], [sflag:$0x1] =	stream.indirect.gather [hbm4b:s7+s10], $0x20, s24, s10, $0xb8;
	[tilespmem:$0x12800] =	vst v63  }
0x7d: {  	_ =	swait.ge [sflag:s12], $0x4000  }
0x7e: {  	[sflag:s12] =	ssyncset.done $0x0  }
0x7f: {  	s0 =	rddreg [dreg:$0xd];
	[sflag:s12] =	ssyncadd.s32 $0xFFFFC000  }
0x80: {  	[hbm4b:s0+s2] =	stream.linear.scatter [tilespmem:s6], [sflag:$0x7], $0x4000, $0x38;
	[tilespmem:$0x12800] =	vst v63  }
0x81: {  	_ =	swait.ge [sflag:s4], $0x4000  }
0x82: {  	[sflag:s4] =	ssyncset.done $0x0  }
0x83: {  	[sflag:s4] =	ssyncadd.s32 $0xFFFFC000  }
0x84: {  	[tilespmem:s8], [sflag:$0x2] =	stream.indirect.gather [hbm4b:s7+s10], $0x20, s23, s10, $0xb8;
	[tilespmem:$0x12800] =	vst v63  }
0x85: {  	_ =	swait.ge [sflag:s11], $0x4000  }
0x86: {  	[sflag:s11] =	ssyncset.done $0x0  }
0x87: {  	s0 =	rddreg [dreg:$0xe];
	[sflag:s11] =	ssyncadd.s32 $0xFFFFC000  }
0x88: {  	[hbm4b:s0+s2] =	stream.linear.scatter [tilespmem:s5], [sflag:$0x8], $0x4000, $0x38;
	[tilespmem:$0x12800] =	vst v63  }
0x89: {  	_ =	swait.ge [sflag:s9], $0x4000  }
0x8a: {  	[sflag:s9] =	ssyncset.done $0x0  }
0x8b: {  	[sflag:s9] =	ssyncadd.s32 $0xFFFFC000  }
0x8c: {  	[tilespmem:s6], [sflag:$0x3] =	stream.indirect.gather [hbm4b:s7+s10], $0x20, s22, s10, $0xb8;
	[tilespmem:$0x12800] =	vst v63  }
0x8d: {  	_ =	swait.ge [sflag:s16], $0x4000  }
0x8e: {  	[sflag:s16] =	ssyncset.done $0x0  }
0x8f: {  	s0 =	rddreg [dreg:$0xf];
	[sflag:s16] =	ssyncadd.s32 $0xFFFFC000  }
0x90: {  	[hbm4b:s0+s2] =	stream.linear.scatter [tilespmem:s14], [sflag:$0x5], $0x4000, $0x38;
	[tilespmem:$0x12800] =	vst v63  }
0x91: {  	_ =	swait.ge [sflag:s13], $0x4000  }
0x92: {  	[sflag:s13] =	ssyncset.done $0x0  }
0x93: {  	[sflag:s13] =	ssyncadd.s32 $0xFFFFC000  }
0x94: {  	[tilespmem:s5], [sflag:$0x4] =	stream.indirect.gather [hbm4b:s7+s10], $0x20, s21, s10, $0xb8;
	[tilespmem:$0x12800] =	vst v63  }
0x95: {  	_ =	swait.ge [sflag:s15], $0x4000  }
0x96: {  	[sflag:s15] =	ssyncset.done $0x0  }
0x97: {  	s0 =	rddreg [dreg:$0x10];
	[sflag:s15] =	ssyncadd.s32 $0xFFFFC000  }
0x98: {  	[hbm4b:s0+s2] =	stream.linear.scatter [tilespmem:s8], [sflag:$0x6], $0x4000, $0x38;
	[tilespmem:$0x12800] =	vst v63  }
0x99: {  	_ =	swait.ge [sflag:s3], $0x4000  }
0x9a: {  	[sflag:s3] =	ssyncset.done $0x0  }
0x9b: {  	[sflag:s3] =	ssyncadd.s32 $0xFFFFC000  }
0x9c: {  	[tilespmem:s14], [sflag:$0x1] =	stream.indirect.gather [hbm4b:s7+s10], $0x20, s20, s10, $0xb8;
	[tilespmem:$0x12800] =	vst v63  }
0x9d: {  	_ =	swait.ge [sflag:s12], $0x4000  }
0x9e: {  	[sflag:s12] =	ssyncset.done $0x0  }
0x9f: {  	s0 =	rddreg [dreg:$0x11];
	[sflag:s12] =	ssyncadd.s32 $0xFFFFC000  }
0xa0: {  	[hbm4b:s0+s2] =	stream.linear.scatter [tilespmem:s6], [sflag:$0x7], $0x4000, $0x38;
	[tilespmem:$0x12800] =	vst v63  }
0xa1: {  	_ =	swait.ge [sflag:s4], $0x4000  }
0xa2: {  	[sflag:s4] =	ssyncset.done $0x0  }
0xa3: {  	[sflag:s4] =	ssyncadd.s32 $0xFFFFC000  }
0xa4: {  	[tilespmem:s8], [sflag:$0x2] =	stream.indirect.gather [hbm4b:s7+s10], $0x20, s19, s10, $0xb8;
	[tilespmem:$0x12800] =	vst v63  }
0xa5: {  	_ =	swait.ge [sflag:s11], $0x4000  }
0xa6: {  	[sflag:s11] =	ssyncset.done $0x0  }
0xa7: {  	s0 =	rddreg [dreg:$0x12];
	[sflag:s11] =	ssyncadd.s32 $0xFFFFC000  }
0xa8: {  	[hbm4b:s0+s2] =	stream.linear.scatter [tilespmem:s5], [sflag:$0x8], $0x4000, $0x38;
	[tilespmem:$0x12800] =	vst v63  }
0xa9: {  	_ =	swait.ge [sflag:s9], $0x4000  }
0xaa: {  	[sflag:s9] =	ssyncset.done $0x0  }
0xab: {  	[sflag:s9] =	ssyncadd.s32 $0xFFFFC000  }
0xac: {  	[tilespmem:s6], [sflag:$0x3] =	stream.indirect.gather [hbm4b:s7+s10], $0x20, s18, s10, $0xb8;
	[tilespmem:$0x12800] =	vst v63  }
0xad: {  	_ =	swait.ge [sflag:s16], $0x4000  }
0xae: {  	[sflag:s16] =	ssyncset.done $0x0  }
0xaf: {  	s0 =	rddreg [dreg:$0x13];
	[sflag:s16] =	ssyncadd.s32 $0xFFFFC000  }
0xb0: {  	[hbm4b:s0+s2] =	stream.linear.scatter [tilespmem:s14], [sflag:$0x5], $0x4000, $0x38;
	[tilespmem:$0x12800] =	vst v63  }
0xb1: {  	_ =	swait.ge [sflag:s13], $0x4000  }
0xb2: {  	[sflag:s13] =	ssyncset.done $0x0  }
0xb3: {  	[sflag:s13] =	ssyncadd.s32 $0xFFFFC000  }
0xb4: {  	[tilespmem:s5], [sflag:$0x4] =	stream.indirect.gather [hbm4b:s7+s10], $0x20, s17, s10, $0xb8;
	[tilespmem:$0x12800] =	vst v63  }
0xb5: {  	_ =	swait.ge [sflag:s15], $0x4000  }
0xb6: {  	[sflag:s15] =	ssyncset.done $0x0  }
0xb7: {  	s0 =	rddreg [dreg:$0x14];
	[sflag:s15] =	ssyncadd.s32 $0xFFFFC000  }
0xb8: {  	[hbm4b:s0+s2] =	stream.linear.scatter [tilespmem:s8], [sflag:$0x6], $0x4000, $0x38;
	[tilespmem:$0x12800] =	vst v63  }
0xb9: {  	_ =	swait.ge [sflag:s12], $0x4000  }
0xba: {  	[sflag:s12] =	ssyncset.done $0x0  }
0xbb: {  	s0 =	rddreg [dreg:$0x15];
	[sflag:s12] =	ssyncadd.s32 $0xFFFFC000  }
0xbc: {  	[hbm4b:s0+s2] =	stream.linear.scatter [tilespmem:s6], [sflag:$0x7], $0x4000, $0x38;
	[tilespmem:$0x12800] =	vst v63  }
0xbd: {  	_ =	swait.ge [sflag:s11], $0x4000  }
0xbe: {  	[sflag:s11] =	ssyncset.done $0x0  }
0xbf: {  	s0 =	rddreg [dreg:$0x16];
	[sflag:s11] =	ssyncadd.s32 $0xFFFFC000  }
0xc0: {  	[hbm4b:s0+s2] =	stream.linear.scatter [tilespmem:s5], [sflag:$0x8], $0x4000, $0x38;
	[tilespmem:$0x12800] =	vst v63  }
0xc1: {  	_ =	swait.ge [sflag:s13], $0x4000  }
0xc2: {  	[sflag:s13] =	ssyncset.done $0x0  }
0xc3: {  	[sflag:s13] =	ssyncadd.s32 $0xFFFFC000  }
0xc4: {  	_ =	swait.ge [sflag:s9], $0x4000  }
0xc5: {  	[sflag:s9] =	ssyncset.done $0x0  }
0xc6: {  	p1 =	sne.s32 s1, $0x1;
	[sflag:s9] =	ssyncadd.s32 $0xFFFFC000  }
.Ltmp1:
0xc7: {  	_ =	swait.ge [sflag:s4], $0x4000;
	(pc) =	sbr.rel @!p1 .LBB2_3-.Ltmp1, $4  }
0xc8: {  	[sflag:s4] =	ssyncset.done $0x0  }
0xc9: {  	[sflag:s4] =	ssyncadd.s32 $0xFFFFC000  }
0xca: {  	s1 =	sadd.s32 $0xFFFFFFFF, s1;
	_ =	swait.ge [sflag:s3], $0x4000  }
0xcb: {  	p0 =	por $0x1, $0x1;
	s0 =	rddreg [dreg:$0x3];
	[sflag:s3] =	ssyncset.done $0x0  }
.LBB2_2:
0xcc: {  	[sflag:s3] =	ssyncadd.s32 $0xFFFFC000  }
0xcd: {  	[tilespmem:s2], [sflag:$0x9] =	stream.linear.gather [hbm4b:s0+s2], $0x2800, $0x38;
	[tilespmem:$0x12800] =	vst v63  }
0xce: {  	_ =	swait.ge [sflag:s31], $0x2800  }
0xcf: {  	[sflag:s31] =	ssyncset.done $0x0  }
0xd0: {  	[sflag:s31] =	ssyncadd.s32 $0xFFFFD800  }
0xd1: {  	[tilespmem:s14], [sflag:$0x1] =	stream.indirect.gather [hbm4b:s7+s10], $0x20, s2, s10, $0xb8;
	[tilespmem:$0x12800] =	vst v63  }
0xd2: {  	_ = 	snop  }
0xd3: {  	[tilespmem:s8], [sflag:$0x2] =	stream.indirect.gather [hbm4b:s7+s10], $0x20, s10, s10, $0xb8;
	[tilespmem:$0x12800] =	vst v63  }
0xd4: {  	s0 =	rddreg [dreg:$0x17]  }
0xd5: {  	[tilespmem:s6], [sflag:$0x3] =	stream.indirect.gather [hbm4b:s7+s10], $0x20, s0, s10, $0xb8;
	[tilespmem:$0x12800] =	vst v63  }
0xd6: {  	_ =	swait.ge [sflag:s16], $0x4000  }
0xd7: {  	[sflag:s16] =	ssyncset.done $0x0  }
0xd8: {  	[sflag:s16] =	ssyncadd.s32 $0xFFFFC000  }
0xd9: {  	[hbm4b:s25+s2] =	stream.linear.scatter [tilespmem:s14], [sflag:$0x5], $0x4000, $0x38;
	[tilespmem:$0x12800] =	vst v63  }
0xda: {  	s0 =	rddreg [dreg:$0x18]  }
0xdb: {  	[tilespmem:s5], [sflag:$0x4] =	stream.indirect.gather [hbm4b:s7+s10], $0x20, s0, s10, $0xb8;
	[tilespmem:$0x12800] =	vst v63  }
0xdc: {  	_ =	swait.ge [sflag:s15], $0x4000  }
0xdd: {  	[sflag:s15] =	ssyncset.done $0x0  }
0xde: {  	s0 =	rddreg [dreg:$0x4];
	[sflag:s15] =	ssyncadd.s32 $0xFFFFC000  }
0xdf: {  	[hbm4b:s0+s2] =	stream.linear.scatter [tilespmem:s8], [sflag:$0x6], $0x4000, $0x38;
	[tilespmem:$0x12800] =	vst v63  }
0xe0: {  	_ =	swait.ge [sflag:s3], $0x4000  }
0xe1: {  	[sflag:s3] =	ssyncset.done $0x0  }
0xe2: {  	s0 =	rddreg [dreg:$0x19];
	[sflag:s3] =	ssyncadd.s32 $0xFFFFC000  }
0xe3: {  	[tilespmem:s14], [sflag:$0x1] =	stream.indirect.gather [hbm4b:s7+s10], $0x20, s0, s10, $0xb8;
	[tilespmem:$0x12800] =	vst v63  }
0xe4: {  	_ =	swait.ge [sflag:s12], $0x4000  }
0xe5: {  	[sflag:s12] =	ssyncset.done $0x0  }
0xe6: {  	s0 =	rddreg [dreg:$0x5];
	[sflag:s12] =	ssyncadd.s32 $0xFFFFC000  }
0xe7: {  	[hbm4b:s0+s2] =	stream.linear.scatter [tilespmem:s6], [sflag:$0x7], $0x4000, $0x38;
	[tilespmem:$0x12800] =	vst v63  }
0xe8: {  	_ =	swait.ge [sflag:s4], $0x4000  }
0xe9: {  	[sflag:s4] =	ssyncset.done $0x0  }
0xea: {  	s0 =	rddreg [dreg:$0x1a];
	[sflag:s4] =	ssyncadd.s32 $0xFFFFC000  }
0xeb: {  	[tilespmem:s8], [sflag:$0x2] =	stream.indirect.gather [hbm4b:s7+s10], $0x20, s0, s10, $0xb8;
	[tilespmem:$0x12800] =	vst v63  }
0xec: {  	_ =	swait.ge [sflag:s11], $0x4000  }
0xed: {  	[sflag:s11] =	ssyncset.done $0x0  }
0xee: {  	s0 =	rddreg [dreg:$0x6];
	[sflag:s11] =	ssyncadd.s32 $0xFFFFC000  }
0xef: {  	[hbm4b:s0+s2] =	stream.linear.scatter [tilespmem:s5], [sflag:$0x8], $0x4000, $0x38;
	[tilespmem:$0x12800] =	vst v63  }
0xf0: {  	_ =	swait.ge [sflag:s9], $0x4000  }
0xf1: {  	[sflag:s9] =	ssyncset.done $0x0  }
0xf2: {  	s0 =	rddreg [dreg:$0x1b];
	[sflag:s9] =	ssyncadd.s32 $0xFFFFC000  }
0xf3: {  	[tilespmem:s6], [sflag:$0x3] =	stream.indirect.gather [hbm4b:s7+s10], $0x20, s0, s10, $0xb8;
	[tilespmem:$0x12800] =	vst v63  }
0xf4: {  	_ =	swait.ge [sflag:s16], $0x4000  }
0xf5: {  	[sflag:s16] =	ssyncset.done $0x0  }
0xf6: {  	s0 =	rddreg [dreg:$0x7];
	[sflag:s16] =	ssyncadd.s32 $0xFFFFC000  }
0xf7: {  	[hbm4b:s0+s2] =	stream.linear.scatter [tilespmem:s14], [sflag:$0x5], $0x4000, $0x38;
	[tilespmem:$0x12800] =	vst v63  }
0xf8: {  	_ =	swait.ge [sflag:s13], $0x4000  }
0xf9: {  	[sflag:s13] =	ssyncset.done $0x0  }
0xfa: {  	s0 =	rddreg [dreg:$0x1c];
	[sflag:s13] =	ssyncadd.s32 $0xFFFFC000  }
0xfb: {  	[tilespmem:s5], [sflag:$0x4] =	stream.indirect.gather [hbm4b:s7+s10], $0x20, s0, s10, $0xb8;
	[tilespmem:$0x12800] =	vst v63  }
0xfc: {  	_ =	swait.ge [sflag:s15], $0x4000  }
0xfd: {  	[sflag:s15] =	ssyncset.done $0x0  }
0xfe: {  	s0 =	rddreg [dreg:$0x8];
	[sflag:s15] =	ssyncadd.s32 $0xFFFFC000  }
0xff: {  	[hbm4b:s0+s2] =	stream.linear.scatter [tilespmem:s8], [sflag:$0x6], $0x4000, $0x38;
	[tilespmem:$0x12800] =	vst v63  }
0x100: {  	_ =	swait.ge [sflag:s3], $0x4000  }
0x101: {  	[sflag:s3] =	ssyncset.done $0x0  }
0x102: {  	[sflag:s3] =	ssyncadd.s32 $0xFFFFC000  }
0x103: {  	[tilespmem:s14], [sflag:$0x1] =	stream.indirect.gather [hbm4b:s7+s10], $0x20, s30, s10, $0xb8;
	[tilespmem:$0x12800] =	vst v63  }
0x104: {  	_ =	swait.ge [sflag:s12], $0x4000  }
0x105: {  	[sflag:s12] =	ssyncset.done $0x0  }
0x106: {  	s0 =	rddreg [dreg:$0x9];
	[sflag:s12] =	ssyncadd.s32 $0xFFFFC000  }
0x107: {  	[hbm4b:s0+s2] =	stream.linear.scatter [tilespmem:s6], [sflag:$0x7], $0x4000, $0x38;
	[tilespmem:$0x12800] =	vst v63  }
0x108: {  	_ =	swait.ge [sflag:s4], $0x4000  }
0x109: {  	[sflag:s4] =	ssyncset.done $0x0  }
0x10a: {  	[sflag:s4] =	ssyncadd.s32 $0xFFFFC000  }
0x10b: {  	[tilespmem:s8], [sflag:$0x2] =	stream.indirect.gather [hbm4b:s7+s10], $0x20, s29, s10, $0xb8;
	[tilespmem:$0x12800] =	vst v63  }
0x10c: {  	_ =	swait.ge [sflag:s11], $0x4000  }
0x10d: {  	[sflag:s11] =	ssyncset.done $0x0  }
0x10e: {  	s0 =	rddreg [dreg:$0xa];
	[sflag:s11] =	ssyncadd.s32 $0xFFFFC000  }
0x10f: {  	[hbm4b:s0+s2] =	stream.linear.scatter [tilespmem:s5], [sflag:$0x8], $0x4000, $0x38;
	[tilespmem:$0x12800] =	vst v63  }
0x110: {  	_ =	swait.ge [sflag:s9], $0x4000  }
0x111: {  	[sflag:s9] =	ssyncset.done $0x0  }
0x112: {  	[sflag:s9] =	ssyncadd.s32 $0xFFFFC000  }
0x113: {  	[tilespmem:s6], [sflag:$0x3] =	stream.indirect.gather [hbm4b:s7+s10], $0x20, s28, s10, $0xb8;
	[tilespmem:$0x12800] =	vst v63  }
0x114: {  	_ =	swait.ge [sflag:s16], $0x4000  }
0x115: {  	[sflag:s16] =	ssyncset.done $0x0  }
0x116: {  	s0 =	rddreg [dreg:$0xb];
	[sflag:s16] =	ssyncadd.s32 $0xFFFFC000  }
0x117: {  	[hbm4b:s0+s2] =	stream.linear.scatter [tilespmem:s14], [sflag:$0x5], $0x4000, $0x38;
	[tilespmem:$0x12800] =	vst v63  }
0x118: {  	_ =	swait.ge [sflag:s13], $0x4000  }
0x119: {  	[sflag:s13] =	ssyncset.done $0x0  }
0x11a: {  	[sflag:s13] =	ssyncadd.s32 $0xFFFFC000  }
0x11b: {  	[tilespmem:s5], [sflag:$0x4] =	stream.indirect.gather [hbm4b:s7+s10], $0x20, s26, s10, $0xb8;
	[tilespmem:$0x12800] =	vst v63  }
0x11c: {  	_ =	swait.ge [sflag:s15], $0x4000  }
0x11d: {  	[sflag:s15] =	ssyncset.done $0x0  }
0x11e: {  	s0 =	rddreg [dreg:$0xc];
	[sflag:s15] =	ssyncadd.s32 $0xFFFFC000  }
0x11f: {  	[hbm4b:s0+s2] =	stream.linear.scatter [tilespmem:s8], [sflag:$0x6], $0x4000, $0x38;
	[tilespmem:$0x12800] =	vst v63  }
0x120: {  	_ =	swait.ge [sflag:s3], $0x4000  }
0x121: {  	[sflag:s3] =	ssyncset.done $0x0  }
0x122: {  	[sflag:s3] =	ssyncadd.s32 $0xFFFFC000  }
0x123: {  	[tilespmem:s14], [sflag:$0x1] =	stream.indirect.gather [hbm4b:s7+s10], $0x20, s24, s10, $0xb8;
	[tilespmem:$0x12800] =	vst v63  }
0x124: {  	_ =	swait.ge [sflag:s12], $0x4000  }
0x125: {  	[sflag:s12] =	ssyncset.done $0x0  }
0x126: {  	s0 =	rddreg [dreg:$0xd];
	[sflag:s12] =	ssyncadd.s32 $0xFFFFC000  }
0x127: {  	[hbm4b:s0+s2] =	stream.linear.scatter [tilespmem:s6], [sflag:$0x7], $0x4000, $0x38;
	[tilespmem:$0x12800] =	vst v63  }
0x128: {  	_ =	swait.ge [sflag:s4], $0x4000  }
0x129: {  	[sflag:s4] =	ssyncset.done $0x0  }
0x12a: {  	[sflag:s4] =	ssyncadd.s32 $0xFFFFC000  }
0x12b: {  	[tilespmem:s8], [sflag:$0x2] =	stream.indirect.gather [hbm4b:s7+s10], $0x20, s23, s10, $0xb8;
	[tilespmem:$0x12800] =	vst v63  }
0x12c: {  	_ =	swait.ge [sflag:s11], $0x4000  }
0x12d: {  	[sflag:s11] =	ssyncset.done $0x0  }
0x12e: {  	s0 =	rddreg [dreg:$0xe];
	[sflag:s11] =	ssyncadd.s32 $0xFFFFC000  }
0x12f: {  	[hbm4b:s0+s2] =	stream.linear.scatter [tilespmem:s5], [sflag:$0x8], $0x4000, $0x38;
	[tilespmem:$0x12800] =	vst v63  }
0x130: {  	_ =	swait.ge [sflag:s9], $0x4000  }
0x131: {  	[sflag:s9] =	ssyncset.done $0x0  }
0x132: {  	[sflag:s9] =	ssyncadd.s32 $0xFFFFC000  }
0x133: {  	[tilespmem:s6], [sflag:$0x3] =	stream.indirect.gather [hbm4b:s7+s10], $0x20, s22, s10, $0xb8;
	[tilespmem:$0x12800] =	vst v63  }
0x134: {  	_ =	swait.ge [sflag:s16], $0x4000  }
0x135: {  	[sflag:s16] =	ssyncset.done $0x0  }
0x136: {  	s0 =	rddreg [dreg:$0xf];
	[sflag:s16] =	ssyncadd.s32 $0xFFFFC000  }
0x137: {  	[hbm4b:s0+s2] =	stream.linear.scatter [tilespmem:s14], [sflag:$0x5], $0x4000, $0x38;
	[tilespmem:$0x12800] =	vst v63  }
0x138: {  	_ =	swait.ge [sflag:s13], $0x4000  }
0x139: {  	[sflag:s13] =	ssyncset.done $0x0  }
0x13a: {  	[sflag:s13] =	ssyncadd.s32 $0xFFFFC000  }
0x13b: {  	[tilespmem:s5], [sflag:$0x4] =	stream.indirect.gather [hbm4b:s7+s10], $0x20, s21, s10, $0xb8;
	[tilespmem:$0x12800] =	vst v63  }
0x13c: {  	_ =	swait.ge [sflag:s15], $0x4000  }
0x13d: {  	[sflag:s15] =	ssyncset.done $0x0  }
0x13e: {  	s0 =	rddreg [dreg:$0x10];
	[sflag:s15] =	ssyncadd.s32 $0xFFFFC000  }
0x13f: {  	[hbm4b:s0+s2] =	stream.linear.scatter [tilespmem:s8], [sflag:$0x6], $0x4000, $0x38;
	[tilespmem:$0x12800] =	vst v63  }
0x140: {  	_ =	swait.ge [sflag:s3], $0x4000  }
0x141: {  	[sflag:s3] =	ssyncset.done $0x0  }
0x142: {  	[sflag:s3] =	ssyncadd.s32 $0xFFFFC000  }
0x143: {  	[tilespmem:s14], [sflag:$0x1] =	stream.indirect.gather [hbm4b:s7+s10], $0x20, s20, s10, $0xb8;
	[tilespmem:$0x12800] =	vst v63  }
0x144: {  	_ =	swait.ge [sflag:s12], $0x4000  }
0x145: {  	[sflag:s12] =	ssyncset.done $0x0  }
0x146: {  	s0 =	rddreg [dreg:$0x11];
	[sflag:s12] =	ssyncadd.s32 $0xFFFFC000  }
0x147: {  	[hbm4b:s0+s2] =	stream.linear.scatter [tilespmem:s6], [sflag:$0x7], $0x4000, $0x38;
	[tilespmem:$0x12800] =	vst v63  }
0x148: {  	_ =	swait.ge [sflag:s4], $0x4000  }
0x149: {  	[sflag:s4] =	ssyncset.done $0x0  }
0x14a: {  	[sflag:s4] =	ssyncadd.s32 $0xFFFFC000  }
0x14b: {  	[tilespmem:s8], [sflag:$0x2] =	stream.indirect.gather [hbm4b:s7+s10], $0x20, s19, s10, $0xb8;
	[tilespmem:$0x12800] =	vst v63  }
0x14c: {  	_ =	swait.ge [sflag:s11], $0x4000  }
0x14d: {  	[sflag:s11] =	ssyncset.done $0x0  }
0x14e: {  	s0 =	rddreg [dreg:$0x12];
	[sflag:s11] =	ssyncadd.s32 $0xFFFFC000  }
0x14f: {  	[hbm4b:s0+s2] =	stream.linear.scatter [tilespmem:s5], [sflag:$0x8], $0x4000, $0x38;
	[tilespmem:$0x12800] =	vst v63  }
0x150: {  	_ =	swait.ge [sflag:s9], $0x4000  }
0x151: {  	[sflag:s9] =	ssyncset.done $0x0  }
0x152: {  	[sflag:s9] =	ssyncadd.s32 $0xFFFFC000  }
0x153: {  	[tilespmem:s6], [sflag:$0x3] =	stream.indirect.gather [hbm4b:s7+s10], $0x20, s18, s10, $0xb8;
	[tilespmem:$0x12800] =	vst v63  }
0x154: {  	_ =	swait.ge [sflag:s16], $0x4000  }
0x155: {  	[sflag:s16] =	ssyncset.done $0x0  }
0x156: {  	s0 =	rddreg [dreg:$0x13];
	[sflag:s16] =	ssyncadd.s32 $0xFFFFC000  }
0x157: {  	[hbm4b:s0+s2] =	stream.linear.scatter [tilespmem:s14], [sflag:$0x5], $0x4000, $0x38;
	[tilespmem:$0x12800] =	vst v63  }
0x158: {  	_ =	swait.ge [sflag:s13], $0x4000  }
0x159: {  	[sflag:s13] =	ssyncset.done $0x0  }
0x15a: {  	[sflag:s13] =	ssyncadd.s32 $0xFFFFC000  }
0x15b: {  	[tilespmem:s5], [sflag:$0x4] =	stream.indirect.gather [hbm4b:s7+s10], $0x20, s17, s10, $0xb8;
	[tilespmem:$0x12800] =	vst v63  }
0x15c: {  	_ =	swait.ge [sflag:s15], $0x4000  }
0x15d: {  	[sflag:s15] =	ssyncset.done $0x0  }
0x15e: {  	s0 =	rddreg [dreg:$0x14];
	[sflag:s15] =	ssyncadd.s32 $0xFFFFC000  }
0x15f: {  	[hbm4b:s0+s2] =	stream.linear.scatter [tilespmem:s8], [sflag:$0x6], $0x4000, $0x38;
	[tilespmem:$0x12800] =	vst v63  }
0x160: {  	_ =	swait.ge [sflag:s12], $0x4000  }
0x161: {  	[sflag:s12] =	ssyncset.done $0x0  }
0x162: {  	s0 =	rddreg [dreg:$0x15];
	[sflag:s12] =	ssyncadd.s32 $0xFFFFC000  }
0x163: {  	[hbm4b:s0+s2] =	stream.linear.scatter [tilespmem:s6], [sflag:$0x7], $0x4000, $0x38;
	[tilespmem:$0x12800] =	vst v63  }
0x164: {  	_ =	swait.ge [sflag:s11], $0x4000  }
0x165: {  	[sflag:s11] =	ssyncset.done $0x0  }
0x166: {  	s0 =	rddreg [dreg:$0x16];
	[sflag:s11] =	ssyncadd.s32 $0xFFFFC000  }
0x167: {  	[hbm4b:s0+s2] =	stream.linear.scatter [tilespmem:s5], [sflag:$0x8], $0x4000, $0x38;
	[tilespmem:$0x12800] =	vst v63  }
0x168: {  	_ =	swait.ge [sflag:s13], $0x4000  }
0x169: {  	[sflag:s13] =	ssyncset.done $0x0  }
0x16a: {  	[sflag:s13] =	ssyncadd.s32 $0xFFFFC000  }
0x16b: {  	_ =	swait.ge [sflag:s9], $0x4000  }
0x16c: {  	[sflag:s9] =	ssyncset.done $0x0  }
0x16d: {  	p1 =	sne.s32 s1, $0x1;
	[sflag:s9] =	ssyncadd.s32 $0xFFFFC000  }
.Ltmp2:
0x16e: {  	_ =	swait.ge [sflag:s4], $0x4000;
	(pc) =	sbr.rel @p1 .LBB2_2-.Ltmp2, $4  }
0x16f: {  	[sflag:s4] =	ssyncset.done $0x0  }
0x170: {  	[sflag:s4] =	ssyncadd.s32 $0xFFFFC000  }
0x171: {  	_ =	swait.ge [sflag:s3], $0x4000  }
0x172: {  	s1 =	sadd.s32 $0xFFFFFFFF, s1;
	s0 =	rddreg [dreg:$0x3];
	[sflag:s3] =	ssyncset.done $0x0  }
.LBB2_3:
0x173: {  	[sflag:s3] =	ssyncadd.s32 @p0 $0xFFFFC000  }
0x174: {  	[tilespmem:s2], [sflag:$0x9] =	stream.linear.gather [hbm4b:s0+s2], $0x2800, $0x38;
	[tilespmem:$0x12800] =	vst v63  }
0x175: {  	_ =	swait.ge [sflag:s31], $0x2800  }
0x176: {  	[sflag:s31] =	ssyncset.done $0x0  }
0x177: {  	[sflag:s31] =	ssyncadd.s32 $0xFFFFD800  }
0x178: {  	[tilespmem:s14], [sflag:$0x1] =	stream.indirect.gather [hbm4b:s7+s10], $0x20, s2, s10, $0xb8;
	[tilespmem:$0x12800] =	vst v63  }
0x179: {  	_ = 	snop  }
0x17a: {  	[tilespmem:s8], [sflag:$0x2] =	stream.indirect.gather [hbm4b:s7+s10], $0x20, s10, s10, $0xb8;
	[tilespmem:$0x12800] =	vst v63  }
0x17b: {  	s1 =	rddreg [dreg:$0x17]  }
0x17c: {  	[tilespmem:s6], [sflag:$0x3] =	stream.indirect.gather [hbm4b:s7+s10], $0x20, s1, s10, $0xb8;
	[tilespmem:$0x12800] =	vst v63  }
0x17d: {  	_ =	swait.ge [sflag:s16], $0x4000  }
0x17e: {  	[sflag:s16] =	ssyncset.done $0x0  }
0x17f: {  	[sflag:s16] =	ssyncadd.s32 $0xFFFFC000  }
0x180: {  	[hbm4b:s25+s2] =	stream.linear.scatter [tilespmem:s14], [sflag:$0x5], $0x4000, $0x38;
	[tilespmem:$0x12800] =	vst v63  }
0x181: {  	s31 =	rddreg [dreg:$0x18]  }
0x182: {  	[tilespmem:s5], [sflag:$0x4] =	stream.indirect.gather [hbm4b:s7+s10], $0x20, s31, s10, $0xb8;
	[tilespmem:$0x12800] =	vst v63  }
0x183: {  	_ =	swait.ge [sflag:s15], $0x4000  }
0x184: {  	[sflag:s15] =	ssyncset.done $0x0  }
0x185: {  	s1 =	rddreg [dreg:$0x4];
	[sflag:s15] =	ssyncadd.s32 $0xFFFFC000  }
0x186: {  	[hbm4b:s1+s2] =	stream.linear.scatter [tilespmem:s8], [sflag:$0x6], $0x4000, $0x38;
	[tilespmem:$0x12800] =	vst v63  }
0x187: {  	_ =	swait.ge [sflag:s3], $0x4000  }
0x188: {  	[sflag:s3] =	ssyncset.done $0x0  }
0x189: {  	s25 =	rddreg [dreg:$0x19];
	[sflag:s3] =	ssyncadd.s32 $0xFFFFC000  }
0x18a: {  	[tilespmem:s14], [sflag:$0x1] =	stream.indirect.gather [hbm4b:s7+s10], $0x20, s25, s10, $0xb8;
	[tilespmem:$0x12800] =	vst v63  }
0x18b: {  	_ =	swait.ge [sflag:s12], $0x4000  }
0x18c: {  	[sflag:s12] =	ssyncset.done $0x0  }
0x18d: {  	s31 =	rddreg [dreg:$0x5];
	[sflag:s12] =	ssyncadd.s32 $0xFFFFC000  }
0x18e: {  	[hbm4b:s31+s2] =	stream.linear.scatter [tilespmem:s6], [sflag:$0x7], $0x4000, $0x38;
	[tilespmem:$0x12800] =	vst v63  }
0x18f: {  	_ =	swait.ge [sflag:s4], $0x4000  }
0x190: {  	[sflag:s4] =	ssyncset.done $0x0  }
0x191: {  	s1 =	rddreg [dreg:$0x1a];
	[sflag:s4] =	ssyncadd.s32 $0xFFFFC000  }
0x192: {  	[tilespmem:s8], [sflag:$0x2] =	stream.indirect.gather [hbm4b:s7+s10], $0x20, s1, s10, $0xb8;
	[tilespmem:$0x12800] =	vst v63  }
0x193: {  	_ =	swait.ge [sflag:s11], $0x4000  }
0x194: {  	[sflag:s11] =	ssyncset.done $0x0  }
0x195: {  	s25 =	rddreg [dreg:$0x6];
	[sflag:s11] =	ssyncadd.s32 $0xFFFFC000  }
0x196: {  	[hbm4b:s25+s2] =	stream.linear.scatter [tilespmem:s5], [sflag:$0x8], $0x4000, $0x38;
	[tilespmem:$0x12800] =	vst v63  }
0x197: {  	_ =	swait.ge [sflag:s9], $0x4000  }
0x198: {  	[sflag:s9] =	ssyncset.done $0x0  }
0x199: {  	s31 =	rddreg [dreg:$0x1b];
	[sflag:s9] =	ssyncadd.s32 $0xFFFFC000  }
0x19a: {  	[tilespmem:s6], [sflag:$0x3] =	stream.indirect.gather [hbm4b:s7+s10], $0x20, s31, s10, $0xb8;
	[tilespmem:$0x12800] =	vst v63  }
0x19b: {  	_ =	swait.ge [sflag:s16], $0x4000  }
0x19c: {  	[sflag:s16] =	ssyncset.done $0x0  }
0x19d: {  	s1 =	rddreg [dreg:$0x7];
	[sflag:s16] =	ssyncadd.s32 $0xFFFFC000  }
0x19e: {  	[hbm4b:s1+s2] =	stream.linear.scatter [tilespmem:s14], [sflag:$0x5], $0x4000, $0x38;
	[tilespmem:$0x12800] =	vst v63  }
0x19f: {  	_ =	swait.ge [sflag:s13], $0x4000  }
0x1a0: {  	[sflag:s13] =	ssyncset.done $0x0  }
0x1a1: {  	s25 =	rddreg [dreg:$0x1c];
	[sflag:s13] =	ssyncadd.s32 $0xFFFFC000  }
0x1a2: {  	[tilespmem:s5], [sflag:$0x4] =	stream.indirect.gather [hbm4b:s7+s10], $0x20, s25, s10, $0xb8;
	[tilespmem:$0x12800] =	vst v63  }
0x1a3: {  	_ =	swait.ge [sflag:s15], $0x4000  }
0x1a4: {  	[sflag:s15] =	ssyncset.done $0x0  }
0x1a5: {  	s31 =	rddreg [dreg:$0x8];
	[sflag:s15] =	ssyncadd.s32 $0xFFFFC000  }
0x1a6: {  	[hbm4b:s31+s2] =	stream.linear.scatter [tilespmem:s8], [sflag:$0x6], $0x4000, $0x38;
	[tilespmem:$0x12800] =	vst v63  }
0x1a7: {  	_ =	swait.ge [sflag:s3], $0x4000  }
0x1a8: {  	[sflag:s3] =	ssyncset.done $0x0  }
0x1a9: {  	[sflag:s3] =	ssyncadd.s32 $0xFFFFC000  }
0x1aa: {  	[tilespmem:s14], [sflag:$0x1] =	stream.indirect.gather [hbm4b:s7+s10], $0x20, s30, s10, $0xb8;
	[tilespmem:$0x12800] =	vst v63  }
0x1ab: {  	_ =	swait.ge [sflag:s12], $0x4000  }
0x1ac: {  	[sflag:s12] =	ssyncset.done $0x0  }
0x1ad: {  	s1 =	rddreg [dreg:$0x9];
	[sflag:s12] =	ssyncadd.s32 $0xFFFFC000  }
0x1ae: {  	[hbm4b:s1+s2] =	stream.linear.scatter [tilespmem:s6], [sflag:$0x7], $0x4000, $0x38;
	[tilespmem:$0x12800] =	vst v63  }
0x1af: {  	_ =	swait.ge [sflag:s4], $0x4000  }
0x1b0: {  	[sflag:s4] =	ssyncset.done $0x0  }
0x1b1: {  	[sflag:s4] =	ssyncadd.s32 $0xFFFFC000  }
0x1b2: {  	[tilespmem:s8], [sflag:$0x2] =	stream.indirect.gather [hbm4b:s7+s10], $0x20, s29, s10, $0xb8;
	[tilespmem:$0x12800] =	vst v63  }
0x1b3: {  	_ =	swait.ge [sflag:s11], $0x4000  }
0x1b4: {  	[sflag:s11] =	ssyncset.done $0x0  }
0x1b5: {  	s25 =	rddreg [dreg:$0xa];
	[sflag:s11] =	ssyncadd.s32 $0xFFFFC000  }
0x1b6: {  	[hbm4b:s25+s2] =	stream.linear.scatter [tilespmem:s5], [sflag:$0x8], $0x4000, $0x38;
	[tilespmem:$0x12800] =	vst v63  }
0x1b7: {  	_ =	swait.ge [sflag:s9], $0x4000  }
0x1b8: {  	[sflag:s9] =	ssyncset.done $0x0  }
0x1b9: {  	[sflag:s9] =	ssyncadd.s32 $0xFFFFC000  }
0x1ba: {  	[tilespmem:s6], [sflag:$0x3] =	stream.indirect.gather [hbm4b:s7+s10], $0x20, s28, s10, $0xb8;
	[tilespmem:$0x12800] =	vst v63  }
0x1bb: {  	_ =	swait.ge [sflag:s16], $0x4000  }
0x1bc: {  	[sflag:s16] =	ssyncset.done $0x0  }
0x1bd: {  	s29 =	rddreg [dreg:$0xb];
	[sflag:s16] =	ssyncadd.s32 $0xFFFFC000  }
0x1be: {  	[hbm4b:s29+s2] =	stream.linear.scatter [tilespmem:s14], [sflag:$0x5], $0x4000, $0x38;
	[tilespmem:$0x12800] =	vst v63  }
0x1bf: {  	_ =	swait.ge [sflag:s13], $0x4000  }
0x1c0: {  	[sflag:s13] =	ssyncset.done $0x0  }
0x1c1: {  	[sflag:s13] =	ssyncadd.s32 $0xFFFFC000  }
0x1c2: {  	[tilespmem:s5], [sflag:$0x4] =	stream.indirect.gather [hbm4b:s7+s10], $0x20, s26, s10, $0xb8;
	[tilespmem:$0x12800] =	vst v63  }
0x1c3: {  	_ =	swait.ge [sflag:s15], $0x4000  }
0x1c4: {  	[sflag:s15] =	ssyncset.done $0x0  }
0x1c5: {  	s30 =	rddreg [dreg:$0xc];
	[sflag:s15] =	ssyncadd.s32 $0xFFFFC000  }
0x1c6: {  	[hbm4b:s30+s2] =	stream.linear.scatter [tilespmem:s8], [sflag:$0x6], $0x4000, $0x38;
	[tilespmem:$0x12800] =	vst v63  }
0x1c7: {  	_ =	swait.ge [sflag:s3], $0x4000  }
0x1c8: {  	[sflag:s3] =	ssyncset.done $0x0  }
0x1c9: {  	[sflag:s3] =	ssyncadd.s32 $0xFFFFC000  }
0x1ca: {  	[tilespmem:s14], [sflag:$0x1] =	stream.indirect.gather [hbm4b:s7+s10], $0x20, s24, s10, $0xb8;
	[tilespmem:$0x12800] =	vst v63  }
0x1cb: {  	_ =	swait.ge [sflag:s12], $0x4000  }
0x1cc: {  	[sflag:s12] =	ssyncset.done $0x0  }
0x1cd: {  	s31 =	rddreg [dreg:$0xd];
	[sflag:s12] =	ssyncadd.s32 $0xFFFFC000  }
0x1ce: {  	[hbm4b:s31+s2] =	stream.linear.scatter [tilespmem:s6], [sflag:$0x7], $0x4000, $0x38;
	[tilespmem:$0x12800] =	vst v63  }
0x1cf: {  	_ =	swait.ge [sflag:s4], $0x4000  }
0x1d0: {  	[sflag:s4] =	ssyncset.done $0x0  }
0x1d1: {  	[sflag:s4] =	ssyncadd.s32 $0xFFFFC000  }
0x1d2: {  	[tilespmem:s8], [sflag:$0x2] =	stream.indirect.gather [hbm4b:s7+s10], $0x20, s23, s10, $0xb8;
	[tilespmem:$0x12800] =	vst v63  }
0x1d3: {  	_ =	swait.ge [sflag:s11], $0x4000  }
0x1d4: {  	[sflag:s11] =	ssyncset.done $0x0  }
0x1d5: {  	s1 =	rddreg [dreg:$0xe];
	[sflag:s11] =	ssyncadd.s32 $0xFFFFC000  }
0x1d6: {  	[hbm4b:s1+s2] =	stream.linear.scatter [tilespmem:s5], [sflag:$0x8], $0x4000, $0x38;
	[tilespmem:$0x12800] =	vst v63  }
0x1d7: {  	_ =	swait.ge [sflag:s9], $0x4000  }
0x1d8: {  	[sflag:s9] =	ssyncset.done $0x0  }
0x1d9: {  	[sflag:s9] =	ssyncadd.s32 $0xFFFFC000  }
0x1da: {  	[tilespmem:s6], [sflag:$0x3] =	stream.indirect.gather [hbm4b:s7+s10], $0x20, s22, s10, $0xb8;
	[tilespmem:$0x12800] =	vst v63  }
0x1db: {  	_ =	swait.ge [sflag:s16], $0x4000  }
0x1dc: {  	[sflag:s16] =	ssyncset.done $0x0  }
0x1dd: {  	s22 =	rddreg [dreg:$0xf];
	[sflag:s16] =	ssyncadd.s32 $0xFFFFC000  }
0x1de: {  	[hbm4b:s22+s2] =	stream.linear.scatter [tilespmem:s14], [sflag:$0x5], $0x4000, $0x38;
	[tilespmem:$0x12800] =	vst v63  }
0x1df: {  	_ =	swait.ge [sflag:s13], $0x4000  }
0x1e0: {  	[sflag:s13] =	ssyncset.done $0x0  }
0x1e1: {  	[sflag:s13] =	ssyncadd.s32 $0xFFFFC000  }
0x1e2: {  	[tilespmem:s5], [sflag:$0x4] =	stream.indirect.gather [hbm4b:s7+s10], $0x20, s21, s10, $0xb8;
	[tilespmem:$0x12800] =	vst v63  }
0x1e3: {  	_ =	swait.ge [sflag:s15], $0x4000  }
0x1e4: {  	[sflag:s15] =	ssyncset.done $0x0  }
0x1e5: {  	s23 =	rddreg [dreg:$0x10];
	[sflag:s15] =	ssyncadd.s32 $0xFFFFC000  }
0x1e6: {  	[hbm4b:s23+s2] =	stream.linear.scatter [tilespmem:s8], [sflag:$0x6], $0x4000, $0x38;
	[tilespmem:$0x12800] =	vst v63  }
0x1e7: {  	_ =	swait.ge [sflag:s3], $0x4000  }
0x1e8: {  	[sflag:s3] =	ssyncset.done $0x0  }
0x1e9: {  	[sflag:s3] =	ssyncadd.s32 $0xFFFFC000  }
0x1ea: {  	[tilespmem:s14], [sflag:$0x1] =	stream.indirect.gather [hbm4b:s7+s10], $0x20, s20, s10, $0xb8;
	[tilespmem:$0x12800] =	vst v63  }
0x1eb: {  	_ =	swait.ge [sflag:s12], $0x4000  }
0x1ec: {  	[sflag:s12] =	ssyncset.done $0x0  }
0x1ed: {  	s24 =	rddreg [dreg:$0x11];
	[sflag:s12] =	ssyncadd.s32 $0xFFFFC000  }
0x1ee: {  	[hbm4b:s24+s2] =	stream.linear.scatter [tilespmem:s6], [sflag:$0x7], $0x4000, $0x38;
	[tilespmem:$0x12800] =	vst v63  }
0x1ef: {  	_ =	swait.ge [sflag:s4], $0x4000  }
0x1f0: {  	[sflag:s4] =	ssyncset.done $0x0  }
0x1f1: {  	[sflag:s4] =	ssyncadd.s32 $0xFFFFC000  }
0x1f2: {  	[tilespmem:s8], [sflag:$0x2] =	stream.indirect.gather [hbm4b:s7+s10], $0x20, s19, s10, $0xb8;
	[tilespmem:$0x12800] =	vst v63  }
0x1f3: {  	_ =	swait.ge [sflag:s11], $0x4000  }
0x1f4: {  	[sflag:s11] =	ssyncset.done $0x0  }
0x1f5: {  	s25 =	rddreg [dreg:$0x12];
	[sflag:s11] =	ssyncadd.s32 $0xFFFFC000  }
0x1f6: {  	[hbm4b:s25+s2] =	stream.linear.scatter [tilespmem:s5], [sflag:$0x8], $0x4000, $0x38;
	[tilespmem:$0x12800] =	vst v63  }
0x1f7: {  	_ =	swait.ge [sflag:s9], $0x4000  }
0x1f8: {  	[sflag:s9] =	ssyncset.done $0x0  }
0x1f9: {  	[sflag:s9] =	ssyncadd.s32 $0xFFFFC000  }
0x1fa: {  	[tilespmem:s6], [sflag:$0x3] =	stream.indirect.gather [hbm4b:s7+s10], $0x20, s18, s10, $0xb8;
	[tilespmem:$0x12800] =	vst v63  }
0x1fb: {  	_ =	swait.ge [sflag:s16], $0x4000  }
0x1fc: {  	[sflag:s16] =	ssyncset.done $0x0  }
0x1fd: {  	s26 =	rddreg [dreg:$0x13];
	[sflag:s16] =	ssyncadd.s32 $0xFFFFC000  }
0x1fe: {  	[hbm4b:s26+s2] =	stream.linear.scatter [tilespmem:s14], [sflag:$0x5], $0x4000, $0x38;
	[tilespmem:$0x12800] =	vst v63  }
0x1ff: {  	_ =	swait.ge [sflag:s13], $0x4000  }
0x200: {  	[sflag:s13] =	ssyncset.done $0x0  }
0x201: {  	[sflag:s13] =	ssyncadd.s32 $0xFFFFC000  }
0x202: {  	[tilespmem:s5], [sflag:$0x4] =	stream.indirect.gather [hbm4b:s7+s10], $0x20, s17, s10, $0xb8;
	[tilespmem:$0x12800] =	vst v63  }
0x203: {  	_ =	swait.ge [sflag:s15], $0x4000  }
0x204: {  	[sflag:s15] =	ssyncset.done $0x0  }
0x205: {  	s28 =	rddreg [dreg:$0x14];
	[sflag:s15] =	ssyncadd.s32 $0xFFFFC000  }
0x206: {  	[hbm4b:s28+s2] =	stream.linear.scatter [tilespmem:s8], [sflag:$0x6], $0x4000, $0x38;
	[tilespmem:$0x12800] =	vst v63  }
0x207: {  	_ =	swait.ge [sflag:s12], $0x4000  }
0x208: {  	[sflag:s12] =	ssyncset.done $0x0  }
0x209: {  	s29 =	rddreg [dreg:$0x15];
	[sflag:s12] =	ssyncadd.s32 $0xFFFFC000  }
0x20a: {  	[hbm4b:s29+s2] =	stream.linear.scatter [tilespmem:s6], [sflag:$0x7], $0x4000, $0x38;
	[tilespmem:$0x12800] =	vst v63  }
0x20b: {  	_ =	swait.ge [sflag:s11], $0x4000  }
0x20c: {  	[sflag:s11] =	ssyncset.done $0x0  }
0x20d: {  	s30 =	rddreg [dreg:$0x16];
	[sflag:s11] =	ssyncadd.s32 $0xFFFFC000  }
0x20e: {  	[hbm4b:s30+s2] =	stream.linear.scatter [tilespmem:s5], [sflag:$0x8], $0x4000, $0x38;
	[tilespmem:$0x12800] =	vst v63  }
0x20f: {  	_ =	swait.ge [sflag:s13], $0x4000  }
0x210: {  	[sflag:s13] =	ssyncset.done $0x0  }
0x211: {  	[sflag:s13] =	ssyncadd.s32 $0xFFFFC000  }
0x212: {  	_ =	swait.ge [sflag:s9], $0x4000  }
0x213: {  	[sflag:s9] =	ssyncset.done $0x0  }
0x214: {  	[sflag:s9] =	ssyncadd.s32 $0xFFFFC000  }
0x215: {  	_ =	swait.ge [sflag:s4], $0x4000  }
0x216: {  	[sflag:s4] =	ssyncset.done $0x0  }
0x217: {  	[sflag:s4] =	ssyncadd.s32 $0xFFFFC000  }
0x218: {  	_ =	swait.ge [sflag:s3], $0x4000  }
0x219: {  	[sflag:s3] =	ssyncset.done $0x0  }
0x21a: {  	[sflag:s3] =	ssyncadd.s32 $0xFFFFC000  }
0x21b: {  	_ =	sfence.sel $0x180000  }
0x21c: {  	[bflag:$0x0] =	sbarrier.arrive $0xFFFF  }
0x21d: {  	_ =	strace $0x90000047  }
0x21e: {  	s31 =	stileid.u32;
	[bflag:$0x2] =	sbarrier.arrive $0xFFFF  }
0x21f: {  	p0 =	sne.s32 s31, $0x0;
	s0 =	rddreg [dreg:$0x2]  }
0x220: {  	s0 =	sadd.s32 @!p0 $0x100000, s0  }
0x221: {  	[sflag:s0] =	ssyncadd.tile.s32 @!p0 $0x1;
	_ =	shalt  }
.Lfunc_end2:
_tile_overlayer_lowered:
.L_overlay_start_2:
0x222: {  	(tag) =	ssettag $0x2  }
0x223: {  	s0 =	rddreg [dreg:$0x0];
	s2 =	stileid.u32  }
0x224: {  	s1 =	rddreg [dreg:$0x1];
	p0 =	sne.s32 s2, $0x0  }
0x225: {  	s3 =	rddreg [dreg:$0x2];
	[bflag:$0x3] =	sbarrier.arrive $0xFFFF;
	s2 =	simm.s32 @!p0 $0x1C09  }
0x226: {  	[timem:s3], [sflag:s2] =	dma.local @!p0 [hbm:s0], s1  }
0x227: {  	s0 =	simm.s32 @!p0 $0x9  }
0x228: {  	_ =	swait.ge @!p0 [sflag:s0], s1  }
0x229: {  	s1 =	ssub.s32 @!p0 $0x0, s1;
	[sflag:s0] =	ssyncset.done @!p0 $0x0  }
0x22a: {  	[sflag:s0] =	ssyncadd.s32 @!p0 s1  }
0x22b: {  	[bflag:$0x3] =	sbarrier.arrive $0xFFFF  }
0x22c: {  	_ =	shalt  }

</sc_bundles>
